<compile_context>
chip_gen: v7x
topology: tpu7x:2x2x1
jax: 0.10.2.dev20260603
libtpu: 0.0.44.dev20260713+nightly
codegen_flags: <defaults>
</compile_context>

<pallas_src>
import functools

import jax
import jax.numpy as jnp
from jax import lax
from jax.experimental import pallas as pl
from jax.experimental.pallas import tpu as pltpu
from jax.experimental.pallas import tpu_sc as plsc

N = 10000
E = 320000
D = 128
NUM_CLASS = 64

NC = 2
NS = 16
NW = NC * NS
EPT = E // NW
CH = 128
G = 8
NCH = 80
NG = NCH // G
EPT_PAD = NCH * CH

AGG_ROWS = 10112
DUMMY = 10008
ZROWS = AGG_ROWS // NS
WROWS = 624


def _seg_sum_body(h_hbm, src_hbm, dst_hbm, out_hbm,
                  sidx0, didx0, sidx1, didx1, rows0, rows1,
                  semi0, semi1, sem0, sem1, agg_sh):
    cid = lax.axis_index("c")
    sid = lax.axis_index("s")
    wid = cid * NS + sid

    def idx_load(g, sb, db, semi):
        pltpu.async_copy(src_hbm.at[wid].at[g], sb, semi)
        pltpu.async_copy(dst_hbm.at[wid].at[g], db, semi)

    def idx_wait(g, sb, db, semi):
        pltpu.make_async_copy(src_hbm.at[wid].at[g], sb, semi).wait()
        pltpu.make_async_copy(dst_hbm.at[wid].at[g], db, semi).wait()

    zvec = jnp.zeros((16,), jnp.float32)

    def _zrow(i, _):
        for j in range(D // 16):
            rows0[i, pl.ds(j * 16, 16)] = zvec
        return 0

    lax.fori_loop(0, CH, _zrow, 0)
    zoff = sid * ZROWS
    for k in range(ZROWS // CH):
        pltpu.sync_copy(rows0.at[pl.ds(0, CH)],
                        agg_sh.at[pl.ds(zoff + k * CH, CH)])
    if ZROWS % CH:
        pltpu.sync_copy(rows0.at[pl.ds(0, ZROWS % CH)],
                        agg_sh.at[pl.ds(zoff + (ZROWS // CH) * CH, ZROWS % CH)])
    plsc.subcore_barrier()

    idx_load(0, sidx0, didx0, semi0)
    idx_load(1, sidx1, didx1, semi1)

    for p, (sb, db, semi) in enumerate(((sidx0, didx0, semi0),
                                        (sidx1, didx1, semi1))):
        def _group(k, _, p=p, sb=sb, db=db, semi=semi):
            g = 2 * k + p
            idx_wait(g, sb, db, semi)
            pltpu.async_copy(h_hbm.at[sb.at[0]], rows0, sem0)
            pltpu.async_copy(h_hbm.at[sb.at[1]], rows1, sem1)
            for c in range(G):
                rb, sem = (rows0, sem0) if c % 2 == 0 else (rows1, sem1)
                pltpu.make_async_copy(h_hbm.at[sb.at[c]], rb, sem).wait()
                pltpu.sync_copy(rb, agg_sh.at[db.at[c]], add=True)
                if c + 2 < G:
                    pltpu.async_copy(h_hbm.at[sb.at[c + 2]], rb, sem)

            @pl.when(k + 1 < NG // 2)
            def _():
                idx_load(g + 2, sb, db, semi)

            return 0

        lax.fori_loop(0, NG // 2, _group, 0)

    plsc.subcore_barrier()
    woff = sid * WROWS
    pltpu.sync_copy(agg_sh.at[pl.ds(woff, WROWS)],
                    out_hbm.at[cid].at[pl.ds(woff, WROWS)])

    @pl.when(sid == NS - 1)
    def _():
        pltpu.sync_copy(agg_sh.at[pl.ds(NS * WROWS, N - NS * WROWS)],
                        out_hbm.at[cid].at[pl.ds(NS * WROWS, N - NS * WROWS)])


@functools.cache
def _get_seg_sum():
    return pl.kernel(
        _seg_sum_body,
        out_type=jax.ShapeDtypeStruct((NC, N, D), jnp.float32),
        mesh=plsc.VectorSubcoreMesh(core_axis_name="c", subcore_axis_name="s",
                                    num_cores=NC),
        scratch_types=[
            pltpu.VMEM((G, CH), jnp.int32),
            pltpu.VMEM((G, CH), jnp.int32),
            pltpu.VMEM((G, CH), jnp.int32),
            pltpu.VMEM((G, CH), jnp.int32),
            pltpu.VMEM((CH, D), jnp.float32),
            pltpu.VMEM((CH, D), jnp.float32),
            pltpu.SemaphoreType.DMA,
            pltpu.SemaphoreType.DMA,
            pltpu.SemaphoreType.DMA,
            pltpu.SemaphoreType.DMA,
            pltpu.VMEM_SHARED((AGG_ROWS, D), jnp.float32),
        ],
    )


def _layer_body(h_ref, agg_ref, sn_ref, w_ref, b_ref, o_ref):
    h = h_ref[...]
    a = agg_ref[0] + agg_ref[1]
    hn = (a - h) * sn_ref[...]
    z = (jnp.dot(h, w_ref[0:D], preferred_element_type=jnp.float32)
         + jnp.dot(hn, w_ref[D:2 * D], preferred_element_type=jnp.float32)
         + b_ref[...])
    o_ref[...] = jnp.maximum(z, 0.0)


def _final_body(h_ref, wf_ref, bf_ref, o_ref):
    o_ref[...] = (jnp.dot(h_ref[...], wf_ref[...],
                          preferred_element_type=jnp.float32) + bf_ref[...])


_R = 10000
_GRID = N // _R

_layer_call = pl.pallas_call(
    _layer_body,
    grid=(_GRID,),
    in_specs=[
        pl.BlockSpec((_R, D), lambda i: (i, 0)),
        pl.BlockSpec((NC, _R, D), lambda i: (0, i, 0)),
        pl.BlockSpec((_R, 1), lambda i: (i, 0)),
        pl.BlockSpec((2 * D, D), lambda i: (0, 0)),
        pl.BlockSpec((1, D), lambda i: (0, 0)),
    ],
    out_specs=pl.BlockSpec((_R, D), lambda i: (i, 0)),
    out_shape=jax.ShapeDtypeStruct((N, D), jnp.float32),
)

_final_call = pl.pallas_call(
    _final_body,
    grid=(_GRID,),
    in_specs=[
        pl.BlockSpec((_R, D), lambda i: (i, 0)),
        pl.BlockSpec((D, NUM_CLASS), lambda i: (0, 0)),
        pl.BlockSpec((1, NUM_CLASS), lambda i: (0, 0)),
    ],
    out_specs=pl.BlockSpec((_R, NUM_CLASS), lambda i: (i, 0)),
    out_shape=jax.ShapeDtypeStruct((N, NUM_CLASS), jnp.float32),
)


def kernel(x, edge_index, subg_norm, W0, b0, W1, b1, Wf, bf):
    src = edge_index[0].astype(jnp.int32).reshape(NW, EPT)
    dst = edge_index[1].astype(jnp.int32).reshape(NW, EPT)
    pad = EPT_PAD - EPT
    src3 = jnp.pad(src, ((0, 0), (0, pad))).reshape(NW, NG, G, CH)
    dst3 = jnp.pad(dst, ((0, 0), (0, pad)),
                   constant_values=DUMMY).reshape(NW, NG, G, CH)

    sn = subg_norm
    Ws = jnp.stack([W0, W1])
    bs = jnp.stack([b0.reshape(1, D), b1.reshape(1, D)])
    bfr = bf.reshape(1, NUM_CLASS)

    seg_sum = _get_seg_sum()

    def _step(h, wb):
        w, b = wb
        agg = seg_sum(h, src3, dst3)
        return _layer_call(h, agg, sn, w, b), None

    h2, _ = lax.scan(_step, x, (Ws, bs))
    return _final_call(h2, Wf, bfr)

# --- scband reference (transcript-rebuilt; emitter-appended) ---
"""Pipeline reference for scband-graph-sagetrain-35021163331756 (READ-ONLY COPY).

The authoritative reference and input builder live on the scoring server;
editing this copy changes nothing except your own understanding.
"""

import jax, jax.numpy as jnp
import numpy as np

N = 10000
E = 320000
IN_DIM = 128
HIDDEN = 128
NUM_CLASS = 64


def setup_inputs(seed: int = 0) -> dict:
    key = jax.random.key(seed)
    ks = jax.random.split(key, 12)
    x = jax.random.normal(ks[0], (N, IN_DIM), dtype=jnp.float32)
    edge_index = jax.random.randint(ks[1], (2, E), 0, N, dtype=jnp.int64)
    subg_norm = jax.random.uniform(ks[2], (N, 1), dtype=jnp.float32)
    W0 = jax.random.normal(ks[3], (2 * IN_DIM, HIDDEN), dtype=jnp.float32) * 0.05
    b0 = jnp.zeros((HIDDEN,), dtype=jnp.float32)
    W1 = jax.random.normal(ks[4], (2 * HIDDEN, HIDDEN), dtype=jnp.float32) * 0.05
    b1 = jnp.zeros((HIDDEN,), dtype=jnp.float32)
    Wf = jax.random.normal(ks[5], (HIDDEN, NUM_CLASS), dtype=jnp.float32) * 0.05
    bf = jnp.zeros((NUM_CLASS,), dtype=jnp.float32)
    return {"x": x, "edge_index": edge_index, "subg_norm": subg_norm,
            "W0": W0, "b0": b0, "W1": W1, "b1": b1, "Wf": Wf, "bf": bf}


def reference(x, edge_index, subg_norm, W0, b0, W1, b1, Wf, bf):
    # GraphSAGETrain flattened from DGL NodeFlow: every layer contains all nodes
    # (layer_nid = identity), block_compute = sum-aggregation of src 'h' into dst.
    src = edge_index[0]
    dst = edge_index[1]
    n = x.shape[0]
    h = x
    for (W, b) in ((W0, b0), (W1, b1)):
        self_h = h  # self features at the next layer's nodes
        # message: m = h[src]; reduce: sum over incoming edges per dst node
        agg = jax.ops.segment_sum(h[src], dst, num_segments=n)
        hn = (agg - self_h) * subg_norm
        h = jax.nn.relu(jnp.concatenate([self_h, hn], axis=1) @ W + b)
    out = h @ Wf + bf
    return out

if __name__ == "__main__":
    import jax
    _d = setup_inputs()
    print(jax.jit(kernel)(*tuple(_d.values())))

</pallas_src>

<mosaic_0001>
#map = affine_map<(d0, d1) -> (0, 0)>
#map1 = affine_map<(d0, d1) -> (0, 0, 0, 0)>
#map2 = affine_map<(d0, d1) -> (0, 0, 0)>
module attributes {stable_mosaic.version = 14 : i64} {
  func.func @_seg_sum_body(%arg0: i32, %arg1: i32, %arg2: memref<10000x128xf32, #tpu.memory_space<hbm>>, %arg3: memref<32x10x8x128xi32, #tpu.memory_space<hbm>>, %arg4: memref<32x10x8x128xi32, #tpu.memory_space<hbm>>, %arg5: memref<2x10000x128xf32, #tpu.memory_space<hbm>>, %arg6: memref<8x128xi32, #tpu.memory_space<vmem>>, %arg7: memref<8x128xi32, #tpu.memory_space<vmem>>, %arg8: memref<8x128xi32, #tpu.memory_space<vmem>>, %arg9: memref<8x128xi32, #tpu.memory_space<vmem>>, %arg10: memref<128x128xf32, #tpu.memory_space<vmem>>, %arg11: memref<128x128xf32, #tpu.memory_space<vmem>>, %arg12: memref<!tpu.dma_semaphore, #tpu.memory_space<semaphore_mem>>, %arg13: memref<!tpu.dma_semaphore, #tpu.memory_space<semaphore_mem>>, %arg14: memref<!tpu.dma_semaphore, #tpu.memory_space<semaphore_mem>>, %arg15: memref<!tpu.dma_semaphore, #tpu.memory_space<semaphore_mem>>, %arg16: memref<10112x128xf32, #tpu.memory_space<vmem_shared>>) attributes {dimension_semantics = [#tpu.dimension_semantics<core_parallel>, #tpu.dimension_semantics<subcore_parallel>], iteration_bounds = array<i64: 2, 16>, scalar_prefetch = 0 : i64, scratch_operands = 11 : i64, tpu.core_type = #tpu.core_type<sc_vector_subcore>, window_params = [{transform_indices = #map}, {transform_indices = #map1}, {transform_indices = #map1}, {transform_indices = #map2}]} {
    %mul3A = arith.constant 16 : i32
    %mul3A_0 = arith.muli %arg0, %mul3A : i32
    %add3A = arith.addi %mul3A_0, %arg1 : i32
    %broadcast_in_dim3A = arith.constant 0.000000e+00 : f32
    %broadcast_in_dim3A_1 = vector.broadcast %broadcast_in_dim3A : f32 to vector<16xf32>
    %scan3A = arith.constant 0 : i32
    %scan3A_2 = arith.constant 0 : i32
    %scan3A_3 = arith.constant 128 : i32
    %scan3A_4 = arith.addi %scan3A_2, %scan3A_3 : i32
    %scan3A_5 = arith.constant 1 : i32
    %scan3A_6 = scf.for %scan3A_114 = %scan3A_2 to %scan3A_4 step %scan3A_5 iter_args(%scan3A_115 = %scan3A) -> (i32)  : i32 {
      %swap3A = arith.index_cast %scan3A_114 : i32 to index
      %swap3A_116 = arith.constant 0 : index
      %swap3A_117 = tpu.vector_load %arg10[%swap3A, %swap3A_116] {strides = array<i32>} : memref<128x128xf32, #tpu.memory_space<vmem>>, vector<1x16xf32>,
      %swap3A_118 = vector.shape_cast %swap3A_117 : vector<1x16xf32> to vector<16xf32>
      %swap3A_119 = vector.shape_cast %broadcast_in_dim3A_1 : vector<16xf32> to vector<1x16xf32>
      tpu.vector_store %arg10[%swap3A, %swap3A_116], %swap3A_119 {strides = array<i32>} : memref<128x128xf32, #tpu.memory_space<vmem>>, vector<1x16xf32>,
      %swap3A_120 = arith.index_cast %scan3A_114 : i32 to index
      %swap3A_121 = arith.constant 16 : index
      %swap3A_122 = tpu.vector_load %arg10[%swap3A_120, %swap3A_121] {strides = array<i32>} : memref<128x128xf32, #tpu.memory_space<vmem>>, vector<1x16xf32>,
      %swap3A_123 = vector.shape_cast %swap3A_122 : vector<1x16xf32> to vector<16xf32>
      %swap3A_124 = vector.shape_cast %broadcast_in_dim3A_1 : vector<16xf32> to vector<1x16xf32>
      tpu.vector_store %arg10[%swap3A_120, %swap3A_121], %swap3A_124 {strides = array<i32>} : memref<128x128xf32, #tpu.memory_space<vmem>>, vector<1x16xf32>,
      %swap3A_125 = arith.index_cast %scan3A_114 : i32 to index
      %swap3A_126 = arith.constant 32 : index
      %swap3A_127 = tpu.vector_load %arg10[%swap3A_125, %swap3A_126] {strides = array<i32>} : memref<128x128xf32, #tpu.memory_space<vmem>>, vector<1x16xf32>,
      %swap3A_128 = vector.shape_cast %swap3A_127 : vector<1x16xf32> to vector<16xf32>
      %swap3A_129 = vector.shape_cast %broadcast_in_dim3A_1 : vector<16xf32> to vector<1x16xf32>
      tpu.vector_store %arg10[%swap3A_125, %swap3A_126], %swap3A_129 {strides = array<i32>} : memref<128x128xf32, #tpu.memory_space<vmem>>, vector<1x16xf32>,
      %swap3A_130 = arith.index_cast %scan3A_114 : i32 to index
      %swap3A_131 = arith.constant 48 : index
      %swap3A_132 = tpu.vector_load %arg10[%swap3A_130, %swap3A_131] {strides = array<i32>} : memref<128x128xf32, #tpu.memory_space<vmem>>, vector<1x16xf32>,
      %swap3A_133 = vector.shape_cast %swap3A_132 : vector<1x16xf32> to vector<16xf32>
      %swap3A_134 = vector.shape_cast %broadcast_in_dim3A_1 : vector<16xf32> to vector<1x16xf32>
      tpu.vector_store %arg10[%swap3A_130, %swap3A_131], %swap3A_134 {strides = array<i32>} : memref<128x128xf32, #tpu.memory_space<vmem>>, vector<1x16xf32>,
      %swap3A_135 = arith.index_cast %scan3A_114 : i32 to index
      %swap3A_136 = arith.constant 64 : index
      %swap3A_137 = tpu.vector_load %arg10[%swap3A_135, %swap3A_136] {strides = array<i32>} : memref<128x128xf32, #tpu.memory_space<vmem>>, vector<1x16xf32>,
      %swap3A_138 = vector.shape_cast %swap3A_137 : vector<1x16xf32> to vector<16xf32>
      %swap3A_139 = vector.shape_cast %broadcast_in_dim3A_1 : vector<16xf32> to vector<1x16xf32>
      tpu.vector_store %arg10[%swap3A_135, %swap3A_136], %swap3A_139 {strides = array<i32>} : memref<128x128xf32, #tpu.memory_space<vmem>>, vector<1x16xf32>,
      %swap3A_140 = arith.index_cast %scan3A_114 : i32 to index
      %swap3A_141 = arith.constant 80 : index
      %swap3A_142 = tpu.vector_load %arg10[%swap3A_140, %swap3A_141] {strides = array<i32>} : memref<128x128xf32, #tpu.memory_space<vmem>>, vector<1x16xf32>,
      %swap3A_143 = vector.shape_cast %swap3A_142 : vector<1x16xf32> to vector<16xf32>
      %swap3A_144 = vector.shape_cast %broadcast_in_dim3A_1 : vector<16xf32> to vector<1x16xf32>
      tpu.vector_store %arg10[%swap3A_140, %swap3A_141], %swap3A_144 {strides = array<i32>} : memref<128x128xf32, #tpu.memory_space<vmem>>, vector<1x16xf32>,
      %swap3A_145 = arith.index_cast %scan3A_114 : i32 to index
      %swap3A_146 = arith.constant 96 : index
      %swap3A_147 = tpu.vector_load %arg10[%swap3A_145, %swap3A_146] {strides = array<i32>} : memref<128x128xf32, #tpu.memory_space<vmem>>, vector<1x16xf32>,
      %swap3A_148 = vector.shape_cast %swap3A_147 : vector<1x16xf32> to vector<16xf32>
      %swap3A_149 = vector.shape_cast %broadcast_in_dim3A_1 : vector<16xf32> to vector<1x16xf32>
      tpu.vector_store %arg10[%swap3A_145, %swap3A_146], %swap3A_149 {strides = array<i32>} : memref<128x128xf32, #tpu.memory_space<vmem>>, vector<1x16xf32>,
      %swap3A_150 = arith.index_cast %scan3A_114 : i32 to index
      %swap3A_151 = arith.constant 112 : index
      %swap3A_152 = tpu.vector_load %arg10[%swap3A_150, %swap3A_151] {strides = array<i32>} : memref<128x128xf32, #tpu.memory_space<vmem>>, vector<1x16xf32>,
      %swap3A_153 = vector.shape_cast %swap3A_152 : vector<1x16xf32> to vector<16xf32>
      %swap3A_154 = vector.shape_cast %broadcast_in_dim3A_1 : vector<16xf32> to vector<1x16xf32>
      tpu.vector_store %arg10[%swap3A_150, %swap3A_151], %swap3A_154 {strides = array<i32>} : memref<128x128xf32, #tpu.memory_space<vmem>>, vector<1x16xf32>,
      %scan3A_155 = arith.constant 0 : i32
      scf.yield %scan3A_155 : i32
    }
    %scan3A_7 = arith.constant 128 : i32
    %mul3A_8 = arith.constant 632 : i32
    %mul3A_9 = arith.muli %arg1, %mul3A_8 : i32
    %add3A_10 = arith.constant 0 : i32
    %add3A_11 = arith.addi %mul3A_9, %add3A_10 : i32
    "tpu.region"() ({
      %run_scoped3A = tpu.sem_alloc : memref<!tpu.dma_semaphore, #tpu.memory_space<semaphore_mem>>
      %dma_start3A_114 = arith.constant 0 : i32
      %dma_start3A_115 = arith.constant 0 : i32
      %dma_start3A_116 = tpu.memref_slice %arg10[%dma_start3A_114, %dma_start3A_115] : memref<128x128xf32, #tpu.memory_space<vmem>> -> memref<128x128xf32, #tpu.memory_space<vmem>>
      %dma_start3A_117 = arith.constant 0 : i32
      %dma_start3A_118 = tpu.memref_slice %arg16[%add3A_11, %dma_start3A_117] : memref<10112x128xf32, #tpu.memory_space<vmem_shared>> -> memref<128x128xf32, #tpu.memory_space<vmem_shared>>
      %dma_start3A_119 = arith.constant 0 : i32
      %dma_start3A_120 = tpu.memref_slice %arg16[%add3A_11, %dma_start3A_119] : memref<10112x128xf32, #tpu.memory_space<vmem_shared>> -> memref<128x128xf32, #tpu.memory_space<vmem_shared>>
      %dma_start3A_121 = arith.constant 0 : i32
      %dma_start3A_122 = arith.constant 0 : i32
      %dma_start3A_123 = tpu.memref_slice %arg10[%dma_start3A_121, %dma_start3A_122] : memref<128x128xf32, #tpu.memory_space<vmem>> -> memref<128x128xf32, #tpu.memory_space<vmem>>
      tpu.enqueue_dma source(%dma_start3A_123 : memref<128x128xf32, #tpu.memory_space<vmem>>) target(%dma_start3A_120 : memref<128x128xf32, #tpu.memory_space<vmem_shared>>) target_semaphore(%run_scoped3A : memref<!tpu.dma_semaphore, #tpu.memory_space<semaphore_mem>>)
      %dma_wait3A = arith.constant 0 : i32
      %dma_wait3A_124 = arith.constant 0 : i32
      %dma_wait3A_125 = tpu.memref_slice %arg10[%dma_wait3A, %dma_wait3A_124] : memref<128x128xf32, #tpu.memory_space<vmem>> -> memref<128x128xf32, #tpu.memory_space<vmem>>
      %dma_wait3A_126 = arith.constant 0 : i32
      %dma_wait3A_127 = tpu.memref_slice %arg16[%add3A_11, %dma_wait3A_126] : memref<10112x128xf32, #tpu.memory_space<vmem_shared>> -> memref<128x128xf32, #tpu.memory_space<vmem_shared>>
      %dma_wait3A_128 = arith.constant 0 : i32
      %dma_wait3A_129 = tpu.memref_slice %arg16[%add3A_11, %dma_wait3A_128] : memref<10112x128xf32, #tpu.memory_space<vmem_shared>> -> memref<128x128xf32, #tpu.memory_space<vmem_shared>>
      %dma_wait3A_130 = arith.constant 0 : i32
      %dma_wait3A_131 = arith.constant 0 : i32
      %dma_wait3A_132 = tpu.memref_slice %arg10[%dma_wait3A_130, %dma_wait3A_131] : memref<128x128xf32, #tpu.memory_space<vmem>> -> memref<128x128xf32, #tpu.memory_space<vmem>>
      tpu.wait_dma2 semaphore(%run_scoped3A : memref<!tpu.dma_semaphore, #tpu.memory_space<semaphore_mem>>) src(%dma_wait3A_132 : memref<128x128xf32, #tpu.memory_space<vmem>>) dst(%dma_wait3A_129 : memref<128x128xf32, #tpu.memory_space<vmem_shared>>)
      tpu.yield
    }) : () -> ()
    %add3A_12 = arith.constant 128 : i32
    %add3A_13 = arith.addi %mul3A_9, %add3A_12 : i32
    "tpu.region"() ({
      %run_scoped3A = tpu.sem_alloc : memref<!tpu.dma_semaphore, #tpu.memory_space<semaphore_mem>>
      %dma_start3A_114 = arith.constant 0 : i32
      %dma_start3A_115 = arith.constant 0 : i32
      %dma_start3A_116 = tpu.memref_slice %arg10[%dma_start3A_114, %dma_start3A_115] : memref<128x128xf32, #tpu.memory_space<vmem>> -> memref<128x128xf32, #tpu.memory_space<vmem>>
      %dma_start3A_117 = arith.constant 0 : i32
      %dma_start3A_118 = tpu.memref_slice %arg16[%add3A_13, %dma_start3A_117] : memref<10112x128xf32, #tpu.memory_space<vmem_shared>> -> memref<128x128xf32, #tpu.memory_space<vmem_shared>>
      %dma_start3A_119 = arith.constant 0 : i32
      %dma_start3A_120 = tpu.memref_slice %arg16[%add3A_13, %dma_start3A_119] : memref<10112x128xf32, #tpu.memory_space<vmem_shared>> -> memref<128x128xf32, #tpu.memory_space<vmem_shared>>
      %dma_start3A_121 = arith.constant 0 : i32
      %dma_start3A_122 = arith.constant 0 : i32
      %dma_start3A_123 = tpu.memref_slice %arg10[%dma_start3A_121, %dma_start3A_122] : memref<128x128xf32, #tpu.memory_space<vmem>> -> memref<128x128xf32, #tpu.memory_space<vmem>>
      tpu.enqueue_dma source(%dma_start3A_123 : memref<128x128xf32, #tpu.memory_space<vmem>>) target(%dma_start3A_120 : memref<128x128xf32, #tpu.memory_space<vmem_shared>>) target_semaphore(%run_scoped3A : memref<!tpu.dma_semaphore, #tpu.memory_space<semaphore_mem>>)
      %dma_wait3A = arith.constant 0 : i32
      %dma_wait3A_124 = arith.constant 0 : i32
      %dma_wait3A_125 = tpu.memref_slice %arg10[%dma_wait3A, %dma_wait3A_124] : memref<128x128xf32, #tpu.memory_space<vmem>> -> memref<128x128xf32, #tpu.memory_space<vmem>>
      %dma_wait3A_126 = arith.constant 0 : i32
      %dma_wait3A_127 = tpu.memref_slice %arg16[%add3A_13, %dma_wait3A_126] : memref<10112x128xf32, #tpu.memory_space<vmem_shared>> -> memref<128x128xf32, #tpu.memory_space<vmem_shared>>
      %dma_wait3A_128 = arith.constant 0 : i32
      %dma_wait3A_129 = tpu.memref_slice %arg16[%add3A_13, %dma_wait3A_128] : memref<10112x128xf32, #tpu.memory_space<vmem_shared>> -> memref<128x128xf32, #tpu.memory_space<vmem_shared>>
      %dma_wait3A_130 = arith.constant 0 : i32
      %dma_wait3A_131 = arith.constant 0 : i32
      %dma_wait3A_132 = tpu.memref_slice %arg10[%dma_wait3A_130, %dma_wait3A_131] : memref<128x128xf32, #tpu.memory_space<vmem>> -> memref<128x128xf32, #tpu.memory_space<vmem>>
      tpu.wait_dma2 semaphore(%run_scoped3A : memref<!tpu.dma_semaphore, #tpu.memory_space<semaphore_mem>>) src(%dma_wait3A_132 : memref<128x128xf32, #tpu.memory_space<vmem>>) dst(%dma_wait3A_129 : memref<128x128xf32, #tpu.memory_space<vmem_shared>>)
      tpu.yield
    }) : () -> ()
    %add3A_14 = arith.constant 256 : i32
    %add3A_15 = arith.addi %mul3A_9, %add3A_14 : i32
    "tpu.region"() ({
      %run_scoped3A = tpu.sem_alloc : memref<!tpu.dma_semaphore, #tpu.memory_space<semaphore_mem>>
      %dma_start3A_114 = arith.constant 0 : i32
      %dma_start3A_115 = arith.constant 0 : i32
      %dma_start3A_116 = tpu.memref_slice %arg10[%dma_start3A_114, %dma_start3A_115] : memref<128x128xf32, #tpu.memory_space<vmem>> -> memref<128x128xf32, #tpu.memory_space<vmem>>
      %dma_start3A_117 = arith.constant 0 : i32
      %dma_start3A_118 = tpu.memref_slice %arg16[%add3A_15, %dma_start3A_117] : memref<10112x128xf32, #tpu.memory_space<vmem_shared>> -> memref<128x128xf32, #tpu.memory_space<vmem_shared>>
      %dma_start3A_119 = arith.constant 0 : i32
      %dma_start3A_120 = tpu.memref_slice %arg16[%add3A_15, %dma_start3A_119] : memref<10112x128xf32, #tpu.memory_space<vmem_shared>> -> memref<128x128xf32, #tpu.memory_space<vmem_shared>>
      %dma_start3A_121 = arith.constant 0 : i32
      %dma_start3A_122 = arith.constant 0 : i32
      %dma_start3A_123 = tpu.memref_slice %arg10[%dma_start3A_121, %dma_start3A_122] : memref<128x128xf32, #tpu.memory_space<vmem>> -> memref<128x128xf32, #tpu.memory_space<vmem>>
      tpu.enqueue_dma source(%dma_start3A_123 : memref<128x128xf32, #tpu.memory_space<vmem>>) target(%dma_start3A_120 : memref<128x128xf32, #tpu.memory_space<vmem_shared>>) target_semaphore(%run_scoped3A : memref<!tpu.dma_semaphore, #tpu.memory_space<semaphore_mem>>)
      %dma_wait3A = arith.constant 0 : i32
      %dma_wait3A_124 = arith.constant 0 : i32
      %dma_wait3A_125 = tpu.memref_slice %arg10[%dma_wait3A, %dma_wait3A_124] : memref<128x128xf32, #tpu.memory_space<vmem>> -> memref<128x128xf32, #tpu.memory_space<vmem>>
      %dma_wait3A_126 = arith.constant 0 : i32
      %dma_wait3A_127 = tpu.memref_slice %arg16[%add3A_15, %dma_wait3A_126] : memref<10112x128xf32, #tpu.memory_space<vmem_shared>> -> memref<128x128xf32, #tpu.memory_space<vmem_shared>>
      %dma_wait3A_128 = arith.constant 0 : i32
      %dma_wait3A_129 = tpu.memref_slice %arg16[%add3A_15, %dma_wait3A_128] : memref<10112x128xf32, #tpu.memory_space<vmem_shared>> -> memref<128x128xf32, #tpu.memory_space<vmem_shared>>
      %dma_wait3A_130 = arith.constant 0 : i32
      %dma_wait3A_131 = arith.constant 0 : i32
      %dma_wait3A_132 = tpu.memref_slice %arg10[%dma_wait3A_130, %dma_wait3A_131] : memref<128x128xf32, #tpu.memory_space<vmem>> -> memref<128x128xf32, #tpu.memory_space<vmem>>
      tpu.wait_dma2 semaphore(%run_scoped3A : memref<!tpu.dma_semaphore, #tpu.memory_space<semaphore_mem>>) src(%dma_wait3A_132 : memref<128x128xf32, #tpu.memory_space<vmem>>) dst(%dma_wait3A_129 : memref<128x128xf32, #tpu.memory_space<vmem_shared>>)
      tpu.yield
    }) : () -> ()
    %add3A_16 = arith.constant 384 : i32
    %add3A_17 = arith.addi %mul3A_9, %add3A_16 : i32
    "tpu.region"() ({
      %run_scoped3A = tpu.sem_alloc : memref<!tpu.dma_semaphore, #tpu.memory_space<semaphore_mem>>
      %dma_start3A_114 = arith.constant 0 : i32
      %dma_start3A_115 = arith.constant 0 : i32
      %dma_start3A_116 = tpu.memref_slice %arg10[%dma_start3A_114, %dma_start3A_115] : memref<128x128xf32, #tpu.memory_space<vmem>> -> memref<128x128xf32, #tpu.memory_space<vmem>>
      %dma_start3A_117 = arith.constant 0 : i32
      %dma_start3A_118 = tpu.memref_slice %arg16[%add3A_17, %dma_start3A_117] : memref<10112x128xf32, #tpu.memory_space<vmem_shared>> -> memref<128x128xf32, #tpu.memory_space<vmem_shared>>
      %dma_start3A_119 = arith.constant 0 : i32
      %dma_start3A_120 = tpu.memref_slice %arg16[%add3A_17, %dma_start3A_119] : memref<10112x128xf32, #tpu.memory_space<vmem_shared>> -> memref<128x128xf32, #tpu.memory_space<vmem_shared>>
      %dma_start3A_121 = arith.constant 0 : i32
      %dma_start3A_122 = arith.constant 0 : i32
      %dma_start3A_123 = tpu.memref_slice %arg10[%dma_start3A_121, %dma_start3A_122] : memref<128x128xf32, #tpu.memory_space<vmem>> -> memref<128x128xf32, #tpu.memory_space<vmem>>
      tpu.enqueue_dma source(%dma_start3A_123 : memref<128x128xf32, #tpu.memory_space<vmem>>) target(%dma_start3A_120 : memref<128x128xf32, #tpu.memory_space<vmem_shared>>) target_semaphore(%run_scoped3A : memref<!tpu.dma_semaphore, #tpu.memory_space<semaphore_mem>>)
      %dma_wait3A = arith.constant 0 : i32
      %dma_wait3A_124 = arith.constant 0 : i32
      %dma_wait3A_125 = tpu.memref_slice %arg10[%dma_wait3A, %dma_wait3A_124] : memref<128x128xf32, #tpu.memory_space<vmem>> -> memref<128x128xf32, #tpu.memory_space<vmem>>
      %dma_wait3A_126 = arith.constant 0 : i32
      %dma_wait3A_127 = tpu.memref_slice %arg16[%add3A_17, %dma_wait3A_126] : memref<10112x128xf32, #tpu.memory_space<vmem_shared>> -> memref<128x128xf32, #tpu.memory_space<vmem_shared>>
      %dma_wait3A_128 = arith.constant 0 : i32
      %dma_wait3A_129 = tpu.memref_slice %arg16[%add3A_17, %dma_wait3A_128] : memref<10112x128xf32, #tpu.memory_space<vmem_shared>> -> memref<128x128xf32, #tpu.memory_space<vmem_shared>>
      %dma_wait3A_130 = arith.constant 0 : i32
      %dma_wait3A_131 = arith.constant 0 : i32
      %dma_wait3A_132 = tpu.memref_slice %arg10[%dma_wait3A_130, %dma_wait3A_131] : memref<128x128xf32, #tpu.memory_space<vmem>> -> memref<128x128xf32, #tpu.memory_space<vmem>>
      tpu.wait_dma2 semaphore(%run_scoped3A : memref<!tpu.dma_semaphore, #tpu.memory_space<semaphore_mem>>) src(%dma_wait3A_132 : memref<128x128xf32, #tpu.memory_space<vmem>>) dst(%dma_wait3A_129 : memref<128x128xf32, #tpu.memory_space<vmem_shared>>)
      tpu.yield
    }) : () -> ()
    %add3A_18 = arith.constant 512 : i32
    %add3A_19 = arith.addi %mul3A_9, %add3A_18 : i32
    "tpu.region"() ({
      %run_scoped3A = tpu.sem_alloc : memref<!tpu.dma_semaphore, #tpu.memory_space<semaphore_mem>>
      %dma_start3A_114 = arith.constant 0 : i32
      %dma_start3A_115 = arith.constant 0 : i32
      %dma_start3A_116 = tpu.memref_slice %arg10[%dma_start3A_114, %dma_start3A_115] : memref<128x128xf32, #tpu.memory_space<vmem>> -> memref<120x128xf32, #tpu.memory_space<vmem>>
      %dma_start3A_117 = arith.constant 0 : i32
      %dma_start3A_118 = tpu.memref_slice %arg16[%add3A_19, %dma_start3A_117] : memref<10112x128xf32, #tpu.memory_space<vmem_shared>> -> memref<120x128xf32, #tpu.memory_space<vmem_shared>>
      %dma_start3A_119 = arith.constant 0 : i32
      %dma_start3A_120 = tpu.memref_slice %arg16[%add3A_19, %dma_start3A_119] : memref<10112x128xf32, #tpu.memory_space<vmem_shared>> -> memref<120x128xf32, #tpu.memory_space<vmem_shared>>
      %dma_start3A_121 = arith.constant 0 : i32
      %dma_start3A_122 = arith.constant 0 : i32
      %dma_start3A_123 = tpu.memref_slice %arg10[%dma_start3A_121, %dma_start3A_122] : memref<128x128xf32, #tpu.memory_space<vmem>> -> memref<120x128xf32, #tpu.memory_space<vmem>>
      tpu.enqueue_dma source(%dma_start3A_123 : memref<120x128xf32, #tpu.memory_space<vmem>>) target(%dma_start3A_120 : memref<120x128xf32, #tpu.memory_space<vmem_shared>>) target_semaphore(%run_scoped3A : memref<!tpu.dma_semaphore, #tpu.memory_space<semaphore_mem>>)
      %dma_wait3A = arith.constant 0 : i32
      %dma_wait3A_124 = arith.constant 0 : i32
      %dma_wait3A_125 = tpu.memref_slice %arg10[%dma_wait3A, %dma_wait3A_124] : memref<128x128xf32, #tpu.memory_space<vmem>> -> memref<120x128xf32, #tpu.memory_space<vmem>>
      %dma_wait3A_126 = arith.constant 0 : i32
      %dma_wait3A_127 = tpu.memref_slice %arg16[%add3A_19, %dma_wait3A_126] : memref<10112x128xf32, #tpu.memory_space<vmem_shared>> -> memref<120x128xf32, #tpu.memory_space<vmem_shared>>
      %dma_wait3A_128 = arith.constant 0 : i32
      %dma_wait3A_129 = tpu.memref_slice %arg16[%add3A_19, %dma_wait3A_128] : memref<10112x128xf32, #tpu.memory_space<vmem_shared>> -> memref<120x128xf32, #tpu.memory_space<vmem_shared>>
      %dma_wait3A_130 = arith.constant 0 : i32
      %dma_wait3A_131 = arith.constant 0 : i32
      %dma_wait3A_132 = tpu.memref_slice %arg10[%dma_wait3A_130, %dma_wait3A_131] : memref<128x128xf32, #tpu.memory_space<vmem>> -> memref<120x128xf32, #tpu.memory_space<vmem>>
      tpu.wait_dma2 semaphore(%run_scoped3A : memref<!tpu.dma_semaphore, #tpu.memory_space<semaphore_mem>>) src(%dma_wait3A_132 : memref<120x128xf32, #tpu.memory_space<vmem>>) dst(%dma_wait3A_129 : memref<120x128xf32, #tpu.memory_space<vmem_shared>>)
      tpu.yield
    }) : () -> ()
    %barrier3A = arith.constant 0 : index
    tpu.barrier barrier_id(%barrier3A)
    %dma_start3A = arith.constant 0 : i32
    %dma_start3A_20 = arith.constant 0 : i32
    %dma_start3A_21 = arith.constant 0 : i32
    %dma_start3A_22 = arith.constant 0 : i32
    %dma_start3A_23 = tpu.memref_slice %arg3[%add3A, %dma_start3A_20, %dma_start3A_21, %dma_start3A_22] : memref<32x10x8x128xi32, #tpu.memory_space<hbm>> -> memref<1x10x8x128xi32, #tpu.memory_space<hbm>>
    %dma_start3A_24 = tpu.memref_squeeze %dma_start3A_23 : memref<1x10x8x128xi32, #tpu.memory_space<hbm>> -> memref<10x8x128xi32, #tpu.memory_space<hbm>>
    %dma_start3A_25 = arith.constant 0 : i32
    %dma_start3A_26 = arith.constant 0 : i32
    %dma_start3A_27 = tpu.memref_slice %dma_start3A_24[%dma_start3A, %dma_start3A_25, %dma_start3A_26] : memref<10x8x128xi32, #tpu.memory_space<hbm>> -> memref<1x8x128xi32, #tpu.memory_space<hbm>>
    %dma_start3A_28 = tpu.memref_squeeze %dma_start3A_27 : memref<1x8x128xi32, #tpu.memory_space<hbm>> -> memref<8x128xi32, #tpu.memory_space<hbm>>
    %dma_start3A_29 = arith.constant 0 : i32
    %dma_start3A_30 = arith.constant 0 : i32
    %dma_start3A_31 = arith.constant 0 : i32
    %dma_start3A_32 = tpu.memref_slice %arg3[%add3A, %dma_start3A_29, %dma_start3A_30, %dma_start3A_31] : memref<32x10x8x128xi32, #tpu.memory_space<hbm>> -> memref<1x10x8x128xi32, #tpu.memory_space<hbm>>
    %dma_start3A_33 = tpu.memref_squeeze %dma_start3A_32 : memref<1x10x8x128xi32, #tpu.memory_space<hbm>> -> memref<10x8x128xi32, #tpu.memory_space<hbm>>
    %dma_start3A_34 = arith.constant 0 : i32
    %dma_start3A_35 = arith.constant 0 : i32
    %dma_start3A_36 = tpu.memref_slice %dma_start3A_33[%dma_start3A, %dma_start3A_34, %dma_start3A_35] : memref<10x8x128xi32, #tpu.memory_space<hbm>> -> memref<1x8x128xi32, #tpu.memory_space<hbm>>
    %dma_start3A_37 = tpu.memref_squeeze %dma_start3A_36 : memref<1x8x128xi32, #tpu.memory_space<hbm>> -> memref<8x128xi32, #tpu.memory_space<hbm>>
    tpu.enqueue_dma source(%dma_start3A_37 : memref<8x128xi32, #tpu.memory_space<hbm>>) target(%arg6 : memref<8x128xi32, #tpu.memory_space<vmem>>) target_semaphore(%arg12 : memref<!tpu.dma_semaphore, #tpu.memory_space<semaphore_mem>>)
    %dma_start3A_38 = arith.constant 0 : i32
    %dma_start3A_39 = arith.constant 0 : i32
    %dma_start3A_40 = arith.constant 0 : i32
    %dma_start3A_41 = arith.constant 0 : i32
    %dma_start3A_42 = tpu.memref_slice %arg4[%add3A, %dma_start3A_39, %dma_start3A_40, %dma_start3A_41] : memref<32x10x8x128xi32, #tpu.memory_space<hbm>> -> memref<1x10x8x128xi32, #tpu.memory_space<hbm>>
    %dma_start3A_43 = tpu.memref_squeeze %dma_start3A_42 : memref<1x10x8x128xi32, #tpu.memory_space<hbm>> -> memref<10x8x128xi32, #tpu.memory_space<hbm>>
    %dma_start3A_44 = arith.constant 0 : i32
    %dma_start3A_45 = arith.constant 0 : i32
    %dma_start3A_46 = tpu.memref_slice %dma_start3A_43[%dma_start3A_38, %dma_start3A_44, %dma_start3A_45] : memref<10x8x128xi32, #tpu.memory_space<hbm>> -> memref<1x8x128xi32, #tpu.memory_space<hbm>>
    %dma_start3A_47 = tpu.memref_squeeze %dma_start3A_46 : memref<1x8x128xi32, #tpu.memory_space<hbm>> -> memref<8x128xi32, #tpu.memory_space<hbm>>
    %dma_start3A_48 = arith.constant 0 : i32
    %dma_start3A_49 = arith.constant 0 : i32
    %dma_start3A_50 = arith.constant 0 : i32
    %dma_start3A_51 = tpu.memref_slice %arg4[%add3A, %dma_start3A_48, %dma_start3A_49, %dma_start3A_50] : memref<32x10x8x128xi32, #tpu.memory_space<hbm>> -> memref<1x10x8x128xi32, #tpu.memory_space<hbm>>
    %dma_start3A_52 = tpu.memref_squeeze %dma_start3A_51 : memref<1x10x8x128xi32, #tpu.memory_space<hbm>> -> memref<10x8x128xi32, #tpu.memory_space<hbm>>
    %dma_start3A_53 = arith.constant 0 : i32
    %dma_start3A_54 = arith.constant 0 : i32
    %dma_start3A_55 = tpu.memref_slice %dma_start3A_52[%dma_start3A_38, %dma_start3A_53, %dma_start3A_54] : memref<10x8x128xi32, #tpu.memory_space<hbm>> -> memref<1x8x128xi32, #tpu.memory_space<hbm>>
    %dma_start3A_56 = tpu.memref_squeeze %dma_start3A_55 : memref<1x8x128xi32, #tpu.memory_space<hbm>> -> memref<8x128xi32, #tpu.memory_space<hbm>>
    tpu.enqueue_dma source(%dma_start3A_56 : memref<8x128xi32, #tpu.memory_space<hbm>>) target(%arg7 : memref<8x128xi32, #tpu.memory_space<vmem>>) target_semaphore(%arg12 : memref<!tpu.dma_semaphore, #tpu.memory_space<semaphore_mem>>)
    %dma_start3A_57 = arith.constant 1 : i32
    %dma_start3A_58 = arith.constant 0 : i32
    %dma_start3A_59 = arith.constant 0 : i32
    %dma_start3A_60 = arith.constant 0 : i32
    %dma_start3A_61 = tpu.memref_slice %arg3[%add3A, %dma_start3A_58, %dma_start3A_59, %dma_start3A_60] : memref<32x10x8x128xi32, #tpu.memory_space<hbm>> -> memref<1x10x8x128xi32, #tpu.memory_space<hbm>>
    %dma_start3A_62 = tpu.memref_squeeze %dma_start3A_61 : memref<1x10x8x128xi32, #tpu.memory_space<hbm>> -> memref<10x8x128xi32, #tpu.memory_space<hbm>>
    %dma_start3A_63 = arith.constant 0 : i32
    %dma_start3A_64 = arith.constant 0 : i32
    %dma_start3A_65 = tpu.memref_slice %dma_start3A_62[%dma_start3A_57, %dma_start3A_63, %dma_start3A_64] : memref<10x8x128xi32, #tpu.memory_space<hbm>> -> memref<1x8x128xi32, #tpu.memory_space<hbm>>
    %dma_start3A_66 = tpu.memref_squeeze %dma_start3A_65 : memref<1x8x128xi32, #tpu.memory_space<hbm>> -> memref<8x128xi32, #tpu.memory_space<hbm>>
    %dma_start3A_67 = arith.constant 0 : i32
    %dma_start3A_68 = arith.constant 0 : i32
    %dma_start3A_69 = arith.constant 0 : i32
    %dma_start3A_70 = tpu.memref_slice %arg3[%add3A, %dma_start3A_67, %dma_start3A_68, %dma_start3A_69] : memref<32x10x8x128xi32, #tpu.memory_space<hbm>> -> memref<1x10x8x128xi32, #tpu.memory_space<hbm>>
    %dma_start3A_71 = tpu.memref_squeeze %dma_start3A_70 : memref<1x10x8x128xi32, #tpu.memory_space<hbm>> -> memref<10x8x128xi32, #tpu.memory_space<hbm>>
    %dma_start3A_72 = arith.constant 0 : i32
    %dma_start3A_73 = arith.constant 0 : i32
    %dma_start3A_74 = tpu.memref_slice %dma_start3A_71[%dma_start3A_57, %dma_start3A_72, %dma_start3A_73] : memref<10x8x128xi32, #tpu.memory_space<hbm>> -> memref<1x8x128xi32, #tpu.memory_space<hbm>>
    %dma_start3A_75 = tpu.memref_squeeze %dma_start3A_74 : memref<1x8x128xi32, #tpu.memory_space<hbm>> -> memref<8x128xi32, #tpu.memory_space<hbm>>
    tpu.enqueue_dma source(%dma_start3A_75 : memref<8x128xi32, #tpu.memory_space<hbm>>) target(%arg8 : memref<8x128xi32, #tpu.memory_space<vmem>>) target_semaphore(%arg13 : memref<!tpu.dma_semaphore, #tpu.memory_space<semaphore_mem>>)
    %dma_start3A_76 = arith.constant 1 : i32
    %dma_start3A_77 = arith.constant 0 : i32
    %dma_start3A_78 = arith.constant 0 : i32
    %dma_start3A_79 = arith.constant 0 : i32
    %dma_start3A_80 = tpu.memref_slice %arg4[%add3A, %dma_start3A_77, %dma_start3A_78, %dma_start3A_79] : memref<32x10x8x128xi32, #tpu.memory_space<hbm>> -> memref<1x10x8x128xi32, #tpu.memory_space<hbm>>
    %dma_start3A_81 = tpu.memref_squeeze %dma_start3A_80 : memref<1x10x8x128xi32, #tpu.memory_space<hbm>> -> memref<10x8x128xi32, #tpu.memory_space<hbm>>
    %dma_start3A_82 = arith.constant 0 : i32
    %dma_start3A_83 = arith.constant 0 : i32
    %dma_start3A_84 = tpu.memref_slice %dma_start3A_81[%dma_start3A_76, %dma_start3A_82, %dma_start3A_83] : memref<10x8x128xi32, #tpu.memory_space<hbm>> -> memref<1x8x128xi32, #tpu.memory_space<hbm>>
    %dma_start3A_85 = tpu.memref_squeeze %dma_start3A_84 : memref<1x8x128xi32, #tpu.memory_space<hbm>> -> memref<8x128xi32, #tpu.memory_space<hbm>>
    %dma_start3A_86 = arith.constant 0 : i32
    %dma_start3A_87 = arith.constant 0 : i32
    %dma_start3A_88 = arith.constant 0 : i32
    %dma_start3A_89 = tpu.memref_slice %arg4[%add3A, %dma_start3A_86, %dma_start3A_87, %dma_start3A_88] : memref<32x10x8x128xi32, #tpu.memory_space<hbm>> -> memref<1x10x8x128xi32, #tpu.memory_space<hbm>>
    %dma_start3A_90 = tpu.memref_squeeze %dma_start3A_89 : memref<1x10x8x128xi32, #tpu.memory_space<hbm>> -> memref<10x8x128xi32, #tpu.memory_space<hbm>>
    %dma_start3A_91 = arith.constant 0 : i32
    %dma_start3A_92 = arith.constant 0 : i32
    %dma_start3A_93 = tpu.memref_slice %dma_start3A_90[%dma_start3A_76, %dma_start3A_91, %dma_start3A_92] : memref<10x8x128xi32, #tpu.memory_space<hbm>> -> memref<1x8x128xi32, #tpu.memory_space<hbm>>
    %dma_start3A_94 = tpu.memref_squeeze %dma_start3A_93 : memref<1x8x128xi32, #tpu.memory_space<hbm>> -> memref<8x128xi32, #tpu.memory_space<hbm>>
    tpu.enqueue_dma source(%dma_start3A_94 : memref<8x128xi32, #tpu.memory_space<hbm>>) target(%arg9 : memref<8x128xi32, #tpu.memory_space<vmem>>) target_semaphore(%arg13 : memref<!tpu.dma_semaphore, #tpu.memory_space<semaphore_mem>>)
    %scan3A_95 = arith.constant 0 : i32
    %scan3A_96 = arith.constant 0 : i32
    %scan3A_97 = arith.constant 5 : i32
    %scan3A_98 = arith.addi %scan3A_96, %scan3A_97 : i32
    %scan3A_99 = arith.constant 1 : i32
    %scan3A_100 = scf.for %scan3A_114 = %scan3A_96 to %scan3A_98 step %scan3A_99 iter_args(%scan3A_115 = %scan3A_95) -> (i32)  : i32 {
      %mul3A_116 = arith.constant 2 : i32
      %mul3A_117 = arith.muli %mul3A_116, %scan3A_114 : i32
      %add3A_118 = arith.constant 0 : i32
      %add3A_119 = arith.addi %mul3A_117, %add3A_118 : i32
      %dma_wait3A = arith.constant 0 : i32
      %dma_wait3A_120 = arith.constant 0 : i32
      %dma_wait3A_121 = arith.constant 0 : i32
      %dma_wait3A_122 = tpu.memref_slice %arg3[%add3A, %dma_wait3A, %dma_wait3A_120, %dma_wait3A_121] : memref<32x10x8x128xi32, #tpu.memory_space<hbm>> -> memref<1x10x8x128xi32, #tpu.memory_space<hbm>>
      %dma_wait3A_123 = tpu.memref_squeeze %dma_wait3A_122 : memref<1x10x8x128xi32, #tpu.memory_space<hbm>> -> memref<10x8x128xi32, #tpu.memory_space<hbm>>
      %dma_wait3A_124 = arith.constant 0 : i32
      %dma_wait3A_125 = arith.constant 0 : i32
      %dma_wait3A_126 = tpu.memref_slice %dma_wait3A_123[%add3A_119, %dma_wait3A_124, %dma_wait3A_125] : memref<10x8x128xi32, #tpu.memory_space<hbm>> -> memref<1x8x128xi32, #tpu.memory_space<hbm>>
      %dma_wait3A_127 = tpu.memref_squeeze %dma_wait3A_126 : memref<1x8x128xi32, #tpu.memory_space<hbm>> -> memref<8x128xi32, #tpu.memory_space<hbm>>
      %dma_wait3A_128 = arith.constant 0 : i32
      %dma_wait3A_129 = arith.constant 0 : i32
      %dma_wait3A_130 = arith.constant 0 : i32
      %dma_wait3A_131 = tpu.memref_slice %arg3[%add3A, %dma_wait3A_128, %dma_wait3A_129, %dma_wait3A_130] : memref<32x10x8x128xi32, #tpu.memory_space<hbm>> -> memref<1x10x8x128xi32, #tpu.memory_space<hbm>>
      %dma_wait3A_132 = tpu.memref_squeeze %dma_wait3A_131 : memref<1x10x8x128xi32, #tpu.memory_space<hbm>> -> memref<10x8x128xi32, #tpu.memory_space<hbm>>
      %dma_wait3A_133 = arith.constant 0 : i32
      %dma_wait3A_134 = arith.constant 0 : i32
      %dma_wait3A_135 = tpu.memref_slice %dma_wait3A_132[%add3A_119, %dma_wait3A_133, %dma_wait3A_134] : memref<10x8x128xi32, #tpu.memory_space<hbm>> -> memref<1x8x128xi32, #tpu.memory_space<hbm>>
      %dma_wait3A_136 = tpu.memref_squeeze %dma_wait3A_135 : memref<1x8x128xi32, #tpu.memory_space<hbm>> -> memref<8x128xi32, #tpu.memory_space<hbm>>
      tpu.wait_dma2 semaphore(%arg12 : memref<!tpu.dma_semaphore, #tpu.memory_space<semaphore_mem>>) src(%dma_wait3A_136 : memref<8x128xi32, #tpu.memory_space<hbm>>) dst(%arg6 : memref<8x128xi32, #tpu.memory_space<vmem>>)
      %dma_wait3A_137 = arith.constant 0 : i32
      %dma_wait3A_138 = arith.constant 0 : i32
      %dma_wait3A_139 = arith.constant 0 : i32
      %dma_wait3A_140 = tpu.memref_slice %arg4[%add3A, %dma_wait3A_137, %dma_wait3A_138, %dma_wait3A_139] : memref<32x10x8x128xi32, #tpu.memory_space<hbm>> -> memref<1x10x8x128xi32, #tpu.memory_space<hbm>>
      %dma_wait3A_141 = tpu.memref_squeeze %dma_wait3A_140 : memref<1x10x8x128xi32, #tpu.memory_space<hbm>> -> memref<10x8x128xi32, #tpu.memory_space<hbm>>
      %dma_wait3A_142 = arith.constant 0 : i32
      %dma_wait3A_143 = arith.constant 0 : i32
      %dma_wait3A_144 = tpu.memref_slice %dma_wait3A_141[%add3A_119, %dma_wait3A_142, %dma_wait3A_143] : memref<10x8x128xi32, #tpu.memory_space<hbm>> -> memref<1x8x128xi32, #tpu.memory_space<hbm>>
      %dma_wait3A_145 = tpu.memref_squeeze %dma_wait3A_144 : memref<1x8x128xi32, #tpu.memory_space<hbm>> -> memref<8x128xi32, #tpu.memory_space<hbm>>
      %dma_wait3A_146 = arith.constant 0 : i32
      %dma_wait3A_147 = arith.constant 0 : i32
      %dma_wait3A_148 = arith.constant 0 : i32
      %dma_wait3A_149 = tpu.memref_slice %arg4[%add3A, %dma_wait3A_146, %dma_wait3A_147, %dma_wait3A_148] : memref<32x10x8x128xi32, #tpu.memory_space<hbm>> -> memref<1x10x8x128xi32, #tpu.memory_space<hbm>>
      %dma_wait3A_150 = tpu.memref_squeeze %dma_wait3A_149 : memref<1x10x8x128xi32, #tpu.memory_space<hbm>> -> memref<10x8x128xi32, #tpu.memory_space<hbm>>
      %dma_wait3A_151 = arith.constant 0 : i32
      %dma_wait3A_152 = arith.constant 0 : i32
      %dma_wait3A_153 = tpu.memref_slice %dma_wait3A_150[%add3A_119, %dma_wait3A_151, %dma_wait3A_152] : memref<10x8x128xi32, #tpu.memory_space<hbm>> -> memref<1x8x128xi32, #tpu.memory_space<hbm>>
      %dma_wait3A_154 = tpu.memref_squeeze %dma_wait3A_153 : memref<1x8x128xi32, #tpu.memory_space<hbm>> -> memref<8x128xi32, #tpu.memory_space<hbm>>
      tpu.wait_dma2 semaphore(%arg12 : memref<!tpu.dma_semaphore, #tpu.memory_space<semaphore_mem>>) src(%dma_wait3A_154 : memref<8x128xi32, #tpu.memory_space<hbm>>) dst(%arg7 : memref<8x128xi32, #tpu.memory_space<vmem>>)
      %dma_start3A_155 = arith.constant 0 : i32
      %dma_start3A_156 = arith.constant 0 : i32
      %dma_start3A_157 = tpu.memref_slice %arg6[%dma_start3A_155, %dma_start3A_156] : memref<8x128xi32, #tpu.memory_space<vmem>> -> memref<1x128xi32, #tpu.memory_space<vmem>>
      %dma_start3A_158 = tpu.memref_squeeze %dma_start3A_157 : memref<1x128xi32, #tpu.memory_space<vmem>> -> memref<128xi32, #tpu.memory_space<vmem>>
      %dma_start3A_159 = arith.constant 0 : i32
      %dma_start3A_160 = arith.constant 0 : i32
      %dma_start3A_161 = tpu.memref_slice %arg2[%dma_start3A_159, %dma_start3A_160] : memref<10000x128xf32, #tpu.memory_space<hbm>> -> memref<10000x128xf32, #tpu.memory_space<hbm>>
      tpu.enqueue_indirect_dma source(%dma_start3A_161 : memref<10000x128xf32, #tpu.memory_space<hbm>>) target(%arg10 : memref<128x128xf32, #tpu.memory_space<vmem>>) offsets(%dma_start3A_158 : memref<128xi32, #tpu.memory_space<vmem>>) semaphore(%arg14 : memref<!tpu.dma_semaphore, #tpu.memory_space<semaphore_mem>>)
      %dma_start3A_162 = arith.constant 1 : i32
      %dma_start3A_163 = arith.constant 0 : i32
      %dma_start3A_164 = tpu.memref_slice %arg6[%dma_start3A_162, %dma_start3A_163] : memref<8x128xi32, #tpu.memory_space<vmem>> -> memref<1x128xi32, #tpu.memory_space<vmem>>
      %dma_start3A_165 = tpu.memref_squeeze %dma_start3A_164 : memref<1x128xi32, #tpu.memory_space<vmem>> -> memref<128xi32, #tpu.memory_space<vmem>>
      %dma_start3A_166 = arith.constant 0 : i32
      %dma_start3A_167 = arith.constant 0 : i32
      %dma_start3A_168 = tpu.memref_slice %arg2[%dma_start3A_166, %dma_start3A_167] : memref<10000x128xf32, #tpu.memory_space<hbm>> -> memref<10000x128xf32, #tpu.memory_space<hbm>>
      tpu.enqueue_indirect_dma source(%dma_start3A_168 : memref<10000x128xf32, #tpu.memory_space<hbm>>) target(%arg11 : memref<128x128xf32, #tpu.memory_space<vmem>>) offsets(%dma_start3A_165 : memref<128xi32, #tpu.memory_space<vmem>>) semaphore(%arg15 : memref<!tpu.dma_semaphore, #tpu.memory_space<semaphore_mem>>)
      %dma_wait3A_169 = arith.constant 0 : i32
      %dma_wait3A_170 = arith.constant 0 : i32
      %dma_wait3A_171 = tpu.memref_slice %arg6[%dma_wait3A_169, %dma_wait3A_170] : memref<8x128xi32, #tpu.memory_space<vmem>> -> memref<1x128xi32, #tpu.memory_space<vmem>>
      %dma_wait3A_172 = tpu.memref_squeeze %dma_wait3A_171 : memref<1x128xi32, #tpu.memory_space<vmem>> -> memref<128xi32, #tpu.memory_space<vmem>>
      %dma_wait3A_173 = arith.constant 0 : i32
      %dma_wait3A_174 = arith.constant 0 : i32
      %dma_wait3A_175 = tpu.memref_slice %arg2[%dma_wait3A_173, %dma_wait3A_174] : memref<10000x128xf32, #tpu.memory_space<hbm>> -> memref<10000x128xf32, #tpu.memory_space<hbm>>
      tpu.wait_indirect_dma semaphore(%arg14 : memref<!tpu.dma_semaphore, #tpu.memory_space<semaphore_mem>>) src(%dma_wait3A_175 : memref<10000x128xf32, #tpu.memory_space<hbm>>) dst(%arg10 : memref<128x128xf32, #tpu.memory_space<vmem>>)
      %run_scoped3A = arith.constant 0 : i32
      "tpu.region"() ({
        %run_scoped3A_281 = tpu.sem_alloc : memref<!tpu.dma_semaphore, #tpu.memory_space<semaphore_mem>>
        %dma_start3A_282 = arith.constant 0 : i32
        %dma_start3A_283 = tpu.memref_slice %arg7[%run_scoped3A, %dma_start3A_282] : memref<8x128xi32, #tpu.memory_space<vmem>> -> memref<1x128xi32, #tpu.memory_space<vmem>>
        %dma_start3A_284 = tpu.memref_squeeze %dma_start3A_283 : memref<1x128xi32, #tpu.memory_space<vmem>> -> memref<128xi32, #tpu.memory_space<vmem>>
        %dma_start3A_285 = arith.constant 0 : i32
        %dma_start3A_286 = arith.constant 0 : i32
        %dma_start3A_287 = tpu.memref_slice %arg16[%dma_start3A_285, %dma_start3A_286] : memref<10112x128xf32, #tpu.memory_space<vmem_shared>> -> memref<10112x128xf32, #tpu.memory_space<vmem_shared>>
        tpu.enqueue_indirect_dma source(%arg10 : memref<128x128xf32, #tpu.memory_space<vmem>>) target(%dma_start3A_287 : memref<10112x128xf32, #tpu.memory_space<vmem_shared>>) offsets(%dma_start3A_284 : memref<128xi32, #tpu.memory_space<vmem>>) semaphore(%run_scoped3A_281 : memref<!tpu.dma_semaphore, #tpu.memory_space<semaphore_mem>>) {add = true}
        %dma_wait3A_288 = arith.constant 0 : i32
        %dma_wait3A_289 = tpu.memref_slice %arg7[%run_scoped3A, %dma_wait3A_288] : memref<8x128xi32, #tpu.memory_space<vmem>> -> memref<1x128xi32, #tpu.memory_space<vmem>>
        %dma_wait3A_290 = tpu.memref_squeeze %dma_wait3A_289 : memref<1x128xi32, #tpu.memory_space<vmem>> -> memref<128xi32, #tpu.memory_space<vmem>>
        %dma_wait3A_291 = arith.constant 0 : i32
        %dma_wait3A_292 = arith.constant 0 : i32
        %dma_wait3A_293 = tpu.memref_slice %arg16[%dma_wait3A_291, %dma_wait3A_292] : memref<10112x128xf32, #tpu.memory_space<vmem_shared>> -> memref<10112x128xf32, #tpu.memory_space<vmem_shared>>
        tpu.wait_indirect_dma semaphore(%run_scoped3A_281 : memref<!tpu.dma_semaphore, #tpu.memory_space<semaphore_mem>>) src(%arg10 : memref<128x128xf32, #tpu.memory_space<vmem>>) dst(%dma_wait3A_293 : memref<10112x128xf32, #tpu.memory_space<vmem_shared>>)
        tpu.yield
      }) : () -> ()
      %dma_start3A_176 = arith.constant 2 : i32
      %dma_start3A_177 = arith.constant 0 : i32
      %dma_start3A_178 = tpu.memref_slice %arg6[%dma_start3A_176, %dma_start3A_177] : memref<8x128xi32, #tpu.memory_space<vmem>> -> memref<1x128xi32, #tpu.memory_space<vmem>>
      %dma_start3A_179 = tpu.memref_squeeze %dma_start3A_178 : memref<1x128xi32, #tpu.memory_space<vmem>> -> memref<128xi32, #tpu.memory_space<vmem>>
      %dma_start3A_180 = arith.constant 0 : i32
      %dma_start3A_181 = arith.constant 0 : i32
      %dma_start3A_182 = tpu.memref_slice %arg2[%dma_start3A_180, %dma_start3A_181] : memref<10000x128xf32, #tpu.memory_space<hbm>> -> memref<10000x128xf32, #tpu.memory_space<hbm>>
      tpu.enqueue_indirect_dma source(%dma_start3A_182 : memref<10000x128xf32, #tpu.memory_space<hbm>>) target(%arg10 : memref<128x128xf32, #tpu.memory_space<vmem>>) offsets(%dma_start3A_179 : memref<128xi32, #tpu.memory_space<vmem>>) semaphore(%arg14 : memref<!tpu.dma_semaphore, #tpu.memory_space<semaphore_mem>>)
      %dma_wait3A_183 = arith.constant 1 : i32
      %dma_wait3A_184 = arith.constant 0 : i32
      %dma_wait3A_185 = tpu.memref_slice %arg6[%dma_wait3A_183, %dma_wait3A_184] : memref<8x128xi32, #tpu.memory_space<vmem>> -> memref<1x128xi32, #tpu.memory_space<vmem>>
      %dma_wait3A_186 = tpu.memref_squeeze %dma_wait3A_185 : memref<1x128xi32, #tpu.memory_space<vmem>> -> memref<128xi32, #tpu.memory_space<vmem>>
      %dma_wait3A_187 = arith.constant 0 : i32
      %dma_wait3A_188 = arith.constant 0 : i32
      %dma_wait3A_189 = tpu.memref_slice %arg2[%dma_wait3A_187, %dma_wait3A_188] : memref<10000x128xf32, #tpu.memory_space<hbm>> -> memref<10000x128xf32, #tpu.memory_space<hbm>>
      tpu.wait_indirect_dma semaphore(%arg15 : memref<!tpu.dma_semaphore, #tpu.memory_space<semaphore_mem>>) src(%dma_wait3A_189 : memref<10000x128xf32, #tpu.memory_space<hbm>>) dst(%arg11 : memref<128x128xf32, #tpu.memory_space<vmem>>)
      %run_scoped3A_190 = arith.constant 1 : i32
      "tpu.region"() ({
        %run_scoped3A_281 = tpu.sem_alloc : memref<!tpu.dma_semaphore, #tpu.memory_space<semaphore_mem>>
        %dma_start3A_282 = arith.constant 0 : i32
        %dma_start3A_283 = tpu.memref_slice %arg7[%run_scoped3A_190, %dma_start3A_282] : memref<8x128xi32, #tpu.memory_space<vmem>> -> memref<1x128xi32, #tpu.memory_space<vmem>>
        %dma_start3A_284 = tpu.memref_squeeze %dma_start3A_283 : memref<1x128xi32, #tpu.memory_space<vmem>> -> memref<128xi32, #tpu.memory_space<vmem>>
        %dma_start3A_285 = arith.constant 0 : i32
        %dma_start3A_286 = arith.constant 0 : i32
        %dma_start3A_287 = tpu.memref_slice %arg16[%dma_start3A_285, %dma_start3A_286] : memref<10112x128xf32, #tpu.memory_space<vmem_shared>> -> memref<10112x128xf32, #tpu.memory_space<vmem_shared>>
        tpu.enqueue_indirect_dma source(%arg11 : memref<128x128xf32, #tpu.memory_space<vmem>>) target(%dma_start3A_287 : memref<10112x128xf32, #tpu.memory_space<vmem_shared>>) offsets(%dma_start3A_284 : memref<128xi32, #tpu.memory_space<vmem>>) semaphore(%run_scoped3A_281 : memref<!tpu.dma_semaphore, #tpu.memory_space<semaphore_mem>>) {add = true}
        %dma_wait3A_288 = arith.constant 0 : i32
        %dma_wait3A_289 = tpu.memref_slice %arg7[%run_scoped3A_190, %dma_wait3A_288] : memref<8x128xi32, #tpu.memory_space<vmem>> -> memref<1x128xi32, #tpu.memory_space<vmem>>
        %dma_wait3A_290 = tpu.memref_squeeze %dma_wait3A_289 : memref<1x128xi32, #tpu.memory_space<vmem>> -> memref<128xi32, #tpu.memory_space<vmem>>
        %dma_wait3A_291 = arith.constant 0 : i32
        %dma_wait3A_292 = arith.constant 0 : i32
        %dma_wait3A_293 = tpu.memref_slice %arg16[%dma_wait3A_291, %dma_wait3A_292] : memref<10112x128xf32, #tpu.memory_space<vmem_shared>> -> memref<10112x128xf32, #tpu.memory_space<vmem_shared>>
        tpu.wait_indirect_dma semaphore(%run_scoped3A_281 : memref<!tpu.dma_semaphore, #tpu.memory_space<semaphore_mem>>) src(%arg11 : memref<128x128xf32, #tpu.memory_space<vmem>>) dst(%dma_wait3A_293 : memref<10112x128xf32, #tpu.memory_space<vmem_shared>>)
        tpu.yield
      }) : () -> ()
      %dma_start3A_191 = arith.constant 3 : i32
      %dma_start3A_192 = arith.constant 0 : i32
      %dma_start3A_193 = tpu.memref_slice %arg6[%dma_start3A_191, %dma_start3A_192] : memref<8x128xi32, #tpu.memory_space<vmem>> -> memref<1x128xi32, #tpu.memory_space<vmem>>
      %dma_start3A_194 = tpu.memref_squeeze %dma_start3A_193 : memref<1x128xi32, #tpu.memory_space<vmem>> -> memref<128xi32, #tpu.memory_space<vmem>>
      %dma_start3A_195 = arith.constant 0 : i32
      %dma_start3A_196 = arith.constant 0 : i32
      %dma_start3A_197 = tpu.memref_slice %arg2[%dma_start3A_195, %dma_start3A_196] : memref<10000x128xf32, #tpu.memory_space<hbm>> -> memref<10000x128xf32, #tpu.memory_space<hbm>>
      tpu.enqueue_indirect_dma source(%dma_start3A_197 : memref<10000x128xf32, #tpu.memory_space<hbm>>) target(%arg11 : memref<128x128xf32, #tpu.memory_space<vmem>>) offsets(%dma_start3A_194 : memref<128xi32, #tpu.memory_space<vmem>>) semaphore(%arg15 : memref<!tpu.dma_semaphore, #tpu.memory_space<semaphore_mem>>)
      %dma_wait3A_198 = arith.constant 2 : i32
      %dma_wait3A_199 = arith.constant 0 : i32
      %dma_wait3A_200 = tpu.memref_slice %arg6[%dma_wait3A_198, %dma_wait3A_199] : memref<8x128xi32, #tpu.memory_space<vmem>> -> memref<1x128xi32, #tpu.memory_space<vmem>>
      %dma_wait3A_201 = tpu.memref_squeeze %dma_wait3A_200 : memref<1x128xi32, #tpu.memory_space<vmem>> -> memref<128xi32, #tpu.memory_space<vmem>>
      %dma_wait3A_202 = arith.constant 0 : i32
      %dma_wait3A_203 = arith.constant 0 : i32
      %dma_wait3A_204 = tpu.memref_slice %arg2[%dma_wait3A_202, %dma_wait3A_203] : memref<10000x128xf32, #tpu.memory_space<hbm>> -> memref<10000x128xf32, #tpu.memory_space<hbm>>
      tpu.wait_indirect_dma semaphore(%arg14 : memref<!tpu.dma_semaphore, #tpu.memory_space<semaphore_mem>>) src(%dma_wait3A_204 : memref<10000x128xf32, #tpu.memory_space<hbm>>) dst(%arg10 : memref<128x128xf32, #tpu.memory_space<vmem>>)
      %run_scoped3A_205 = arith.constant 2 : i32
      "tpu.region"() ({
        %run_scoped3A_281 = tpu.sem_alloc : memref<!tpu.dma_semaphore, #tpu.memory_space<semaphore_mem>>
        %dma_start3A_282 = arith.constant 0 : i32
        %dma_start3A_283 = tpu.memref_slice %arg7[%run_scoped3A_205, %dma_start3A_282] : memref<8x128xi32, #tpu.memory_space<vmem>> -> memref<1x128xi32, #tpu.memory_space<vmem>>
        %dma_start3A_284 = tpu.memref_squeeze %dma_start3A_283 : memref<1x128xi32, #tpu.memory_space<vmem>> -> memref<128xi32, #tpu.memory_space<vmem>>
        %dma_start3A_285 = arith.constant 0 : i32
        %dma_start3A_286 = arith.constant 0 : i32
        %dma_start3A_287 = tpu.memref_slice %arg16[%dma_start3A_285, %dma_start3A_286] : memref<10112x128xf32, #tpu.memory_space<vmem_shared>> -> memref<10112x128xf32, #tpu.memory_space<vmem_shared>>
        tpu.enqueue_indirect_dma source(%arg10 : memref<128x128xf32, #tpu.memory_space<vmem>>) target(%dma_start3A_287 : memref<10112x128xf32, #tpu.memory_space<vmem_shared>>) offsets(%dma_start3A_284 : memref<128xi32, #tpu.memory_space<vmem>>) semaphore(%run_scoped3A_281 : memref<!tpu.dma_semaphore, #tpu.memory_space<semaphore_mem>>) {add = true}
        %dma_wait3A_288 = arith.constant 0 : i32
        %dma_wait3A_289 = tpu.memref_slice %arg7[%run_scoped3A_205, %dma_wait3A_288] : memref<8x128xi32, #tpu.memory_space<vmem>> -> memref<1x128xi32, #tpu.memory_space<vmem>>
        %dma_wait3A_290 = tpu.memref_squeeze %dma_wait3A_289 : memref<1x128xi32, #tpu.memory_space<vmem>> -> memref<128xi32, #tpu.memory_space<vmem>>
        %dma_wait3A_291 = arith.constant 0 : i32
        %dma_wait3A_292 = arith.constant 0 : i32
        %dma_wait3A_293 = tpu.memref_slice %arg16[%dma_wait3A_291, %dma_wait3A_292] : memref<10112x128xf32, #tpu.memory_space<vmem_shared>> -> memref<10112x128xf32, #tpu.memory_space<vmem_shared>>
        tpu.wait_indirect_dma semaphore(%run_scoped3A_281 : memref<!tpu.dma_semaphore, #tpu.memory_space<semaphore_mem>>) src(%arg10 : memref<128x128xf32, #tpu.memory_space<vmem>>) dst(%dma_wait3A_293 : memref<10112x128xf32, #tpu.memory_space<vmem_shared>>)
        tpu.yield
      }) : () -> ()
      %dma_start3A_206 = arith.constant 4 : i32
      %dma_start3A_207 = arith.constant 0 : i32
      %dma_start3A_208 = tpu.memref_slice %arg6[%dma_start3A_206, %dma_start3A_207] : memref<8x128xi32, #tpu.memory_space<vmem>> -> memref<1x128xi32, #tpu.memory_space<vmem>>
      %dma_start3A_209 = tpu.memref_squeeze %dma_start3A_208 : memref<1x128xi32, #tpu.memory_space<vmem>> -> memref<128xi32, #tpu.memory_space<vmem>>
      %dma_start3A_210 = arith.constant 0 : i32
      %dma_start3A_211 = arith.constant 0 : i32
      %dma_start3A_212 = tpu.memref_slice %arg2[%dma_start3A_210, %dma_start3A_211] : memref<10000x128xf32, #tpu.memory_space<hbm>> -> memref<10000x128xf32, #tpu.memory_space<hbm>>
      tpu.enqueue_indirect_dma source(%dma_start3A_212 : memref<10000x128xf32, #tpu.memory_space<hbm>>) target(%arg10 : memref<128x128xf32, #tpu.memory_space<vmem>>) offsets(%dma_start3A_209 : memref<128xi32, #tpu.memory_space<vmem>>) semaphore(%arg14 : memref<!tpu.dma_semaphore, #tpu.memory_space<semaphore_mem>>)
      %dma_wait3A_213 = arith.constant 3 : i32
      %dma_wait3A_214 = arith.constant 0 : i32
      %dma_wait3A_215 = tpu.memref_slice %arg6[%dma_wait3A_213, %dma_wait3A_214] : memref<8x128xi32, #tpu.memory_space<vmem>> -> memref<1x128xi32, #tpu.memory_space<vmem>>
      %dma_wait3A_216 = tpu.memref_squeeze %dma_wait3A_215 : memref<1x128xi32, #tpu.memory_space<vmem>> -> memref<128xi32, #tpu.memory_space<vmem>>
      %dma_wait3A_217 = arith.constant 0 : i32
      %dma_wait3A_218 = arith.constant 0 : i32
      %dma_wait3A_219 = tpu.memref_slice %arg2[%dma_wait3A_217, %dma_wait3A_218] : memref<10000x128xf32, #tpu.memory_space<hbm>> -> memref<10000x128xf32, #tpu.memory_space<hbm>>
      tpu.wait_indirect_dma semaphore(%arg15 : memref<!tpu.dma_semaphore, #tpu.memory_space<semaphore_mem>>) src(%dma_wait3A_219 : memref<10000x128xf32, #tpu.memory_space<hbm>>) dst(%arg11 : memref<128x128xf32, #tpu.memory_space<vmem>>)
      %run_scoped3A_220 = arith.constant 3 : i32
      "tpu.region"() ({
        %run_scoped3A_281 = tpu.sem_alloc : memref<!tpu.dma_semaphore, #tpu.memory_space<semaphore_mem>>
        %dma_start3A_282 = arith.constant 0 : i32
        %dma_start3A_283 = tpu.memref_slice %arg7[%run_scoped3A_220, %dma_start3A_282] : memref<8x128xi32, #tpu.memory_space<vmem>> -> memref<1x128xi32, #tpu.memory_space<vmem>>
        %dma_start3A_284 = tpu.memref_squeeze %dma_start3A_283 : memref<1x128xi32, #tpu.memory_space<vmem>> -> memref<128xi32, #tpu.memory_space<vmem>>
        %dma_start3A_285 = arith.constant 0 : i32
        %dma_start3A_286 = arith.constant 0 : i32
        %dma_start3A_287 = tpu.memref_slice %arg16[%dma_start3A_285, %dma_start3A_286] : memref<10112x128xf32, #tpu.memory_space<vmem_shared>> -> memref<10112x128xf32, #tpu.memory_space<vmem_shared>>
        tpu.enqueue_indirect_dma source(%arg11 : memref<128x128xf32, #tpu.memory_space<vmem>>) target(%dma_start3A_287 : memref<10112x128xf32, #tpu.memory_space<vmem_shared>>) offsets(%dma_start3A_284 : memref<128xi32, #tpu.memory_space<vmem>>) semaphore(%run_scoped3A_281 : memref<!tpu.dma_semaphore, #tpu.memory_space<semaphore_mem>>) {add = true}
        %dma_wait3A_288 = arith.constant 0 : i32
        %dma_wait3A_289 = tpu.memref_slice %arg7[%run_scoped3A_220, %dma_wait3A_288] : memref<8x128xi32, #tpu.memory_space<vmem>> -> memref<1x128xi32, #tpu.memory_space<vmem>>
        %dma_wait3A_290 = tpu.memref_squeeze %dma_wait3A_289 : memref<1x128xi32, #tpu.memory_space<vmem>> -> memref<128xi32, #tpu.memory_space<vmem>>
        %dma_wait3A_291 = arith.constant 0 : i32
        %dma_wait3A_292 = arith.constant 0 : i32
        %dma_wait3A_293 = tpu.memref_slice %arg16[%dma_wait3A_291, %dma_wait3A_292] : memref<10112x128xf32, #tpu.memory_space<vmem_shared>> -> memref<10112x128xf32, #tpu.memory_space<vmem_shared>>
        tpu.wait_indirect_dma semaphore(%run_scoped3A_281 : memref<!tpu.dma_semaphore, #tpu.memory_space<semaphore_mem>>) src(%arg11 : memref<128x128xf32, #tpu.memory_space<vmem>>) dst(%dma_wait3A_293 : memref<10112x128xf32, #tpu.memory_space<vmem_shared>>)
        tpu.yield
      }) : () -> ()
      %dma_start3A_221 = arith.constant 5 : i32
      %dma_start3A_222 = arith.constant 0 : i32
      %dma_start3A_223 = tpu.memref_slice %arg6[%dma_start3A_221, %dma_start3A_222] : memref<8x128xi32, #tpu.memory_space<vmem>> -> memref<1x128xi32, #tpu.memory_space<vmem>>
      %dma_start3A_224 = tpu.memref_squeeze %dma_start3A_223 : memref<1x128xi32, #tpu.memory_space<vmem>> -> memref<128xi32, #tpu.memory_space<vmem>>
      %dma_start3A_225 = arith.constant 0 : i32
      %dma_start3A_226 = arith.constant 0 : i32
      %dma_start3A_227 = tpu.memref_slice %arg2[%dma_start3A_225, %dma_start3A_226] : memref<10000x128xf32, #tpu.memory_space<hbm>> -> memref<10000x128xf32, #tpu.memory_space<hbm>>
      tpu.enqueue_indirect_dma source(%dma_start3A_227 : memref<10000x128xf32, #tpu.memory_space<hbm>>) target(%arg11 : memref<128x128xf32, #tpu.memory_space<vmem>>) offsets(%dma_start3A_224 : memref<128xi32, #tpu.memory_space<vmem>>) semaphore(%arg15 : memref<!tpu.dma_semaphore, #tpu.memory_space<semaphore_mem>>)
      %dma_wait3A_228 = arith.constant 4 : i32
      %dma_wait3A_229 = arith.constant 0 : i32
      %dma_wait3A_230 = tpu.memref_slice %arg6[%dma_wait3A_228, %dma_wait3A_229] : memref<8x128xi32, #tpu.memory_space<vmem>> -> memref<1x128xi32, #tpu.memory_space<vmem>>
      %dma_wait3A_231 = tpu.memref_squeeze %dma_wait3A_230 : memref<1x128xi32, #tpu.memory_space<vmem>> -> memref<128xi32, #tpu.memory_space<vmem>>
      %dma_wait3A_232 = arith.constant 0 : i32
      %dma_wait3A_233 = arith.constant 0 : i32
      %dma_wait3A_234 = tpu.memref_slice %arg2[%dma_wait3A_232, %dma_wait3A_233] : memref<10000x128xf32, #tpu.memory_space<hbm>> -> memref<10000x128xf32, #tpu.memory_space<hbm>>
      tpu.wait_indirect_dma semaphore(%arg14 : memref<!tpu.dma_semaphore, #tpu.memory_space<semaphore_mem>>) src(%dma_wait3A_234 : memref<10000x128xf32, #tpu.memory_space<hbm>>) dst(%arg10 : memref<128x128xf32, #tpu.memory_space<vmem>>)
      %run_scoped3A_235 = arith.constant 4 : i32
      "tpu.region"() ({
        %run_scoped3A_281 = tpu.sem_alloc : memref<!tpu.dma_semaphore, #tpu.memory_space<semaphore_mem>>
        %dma_start3A_282 = arith.constant 0 : i32
        %dma_start3A_283 = tpu.memref_slice %arg7[%run_scoped3A_235, %dma_start3A_282] : memref<8x128xi32, #tpu.memory_space<vmem>> -> memref<1x128xi32, #tpu.memory_space<vmem>>
        %dma_start3A_284 = tpu.memref_squeeze %dma_start3A_283 : memref<1x128xi32, #tpu.memory_space<vmem>> -> memref<128xi32, #tpu.memory_space<vmem>>
        %dma_start3A_285 = arith.constant 0 : i32
        %dma_start3A_286 = arith.constant 0 : i32
        %dma_start3A_287 = tpu.memref_slice %arg16[%dma_start3A_285, %dma_start3A_286] : memref<10112x128xf32, #tpu.memory_space<vmem_shared>> -> memref<10112x128xf32, #tpu.memory_space<vmem_shared>>
        tpu.enqueue_indirect_dma source(%arg10 : memref<128x128xf32, #tpu.memory_space<vmem>>) target(%dma_start3A_287 : memref<10112x128xf32, #tpu.memory_space<vmem_shared>>) offsets(%dma_start3A_284 : memref<128xi32, #tpu.memory_space<vmem>>) semaphore(%run_scoped3A_281 : memref<!tpu.dma_semaphore, #tpu.memory_space<semaphore_mem>>) {add = true}
        %dma_wait3A_288 = arith.constant 0 : i32
        %dma_wait3A_289 = tpu.memref_slice %arg7[%run_scoped3A_235, %dma_wait3A_288] : memref<8x128xi32, #tpu.memory_space<vmem>> -> memref<1x128xi32, #tpu.memory_space<vmem>>
        %dma_wait3A_290 = tpu.memref_squeeze %dma_wait3A_289 : memref<1x128xi32, #tpu.memory_space<vmem>> -> memref<128xi32, #tpu.memory_space<vmem>>
        %dma_wait3A_291 = arith.constant 0 : i32
        %dma_wait3A_292 = arith.constant 0 : i32
        %dma_wait3A_293 = tpu.memref_slice %arg16[%dma_wait3A_291, %dma_wait3A_292] : memref<10112x128xf32, #tpu.memory_space<vmem_shared>> -> memref<10112x128xf32, #tpu.memory_space<vmem_shared>>
        tpu.wait_indirect_dma semaphore(%run_scoped3A_281 : memref<!tpu.dma_semaphore, #tpu.memory_space<semaphore_mem>>) src(%arg10 : memref<128x128xf32, #tpu.memory_space<vmem>>) dst(%dma_wait3A_293 : memref<10112x128xf32, #tpu.memory_space<vmem_shared>>)
        tpu.yield
      }) : () -> ()
      %dma_start3A_236 = arith.constant 6 : i32
      %dma_start3A_237 = arith.constant 0 : i32
      %dma_start3A_238 = tpu.memref_slice %arg6[%dma_start3A_236, %dma_start3A_237] : memref<8x128xi32, #tpu.memory_space<vmem>> -> memref<1x128xi32, #tpu.memory_space<vmem>>
      %dma_start3A_239 = tpu.memref_squeeze %dma_start3A_238 : memref<1x128xi32, #tpu.memory_space<vmem>> -> memref<128xi32, #tpu.memory_space<vmem>>
      %dma_start3A_240 = arith.constant 0 : i32
      %dma_start3A_241 = arith.constant 0 : i32
      %dma_start3A_242 = tpu.memref_slice %arg2[%dma_start3A_240, %dma_start3A_241] : memref<10000x128xf32, #tpu.memory_space<hbm>> -> memref<10000x128xf32, #tpu.memory_space<hbm>>
      tpu.enqueue_indirect_dma source(%dma_start3A_242 : memref<10000x128xf32, #tpu.memory_space<hbm>>) target(%arg10 : memref<128x128xf32, #tpu.memory_space<vmem>>) offsets(%dma_start3A_239 : memref<128xi32, #tpu.memory_space<vmem>>) semaphore(%arg14 : memref<!tpu.dma_semaphore, #tpu.memory_space<semaphore_mem>>)
      %dma_wait3A_243 = arith.constant 5 : i32
      %dma_wait3A_244 = arith.constant 0 : i32
      %dma_wait3A_245 = tpu.memref_slice %arg6[%dma_wait3A_243, %dma_wait3A_244] : memref<8x128xi32, #tpu.memory_space<vmem>> -> memref<1x128xi32, #tpu.memory_space<vmem>>
      %dma_wait3A_246 = tpu.memref_squeeze %dma_wait3A_245 : memref<1x128xi32, #tpu.memory_space<vmem>> -> memref<128xi32, #tpu.memory_space<vmem>>
      %dma_wait3A_247 = arith.constant 0 : i32
      %dma_wait3A_248 = arith.constant 0 : i32
      %dma_wait3A_249 = tpu.memref_slice %arg2[%dma_wait3A_247, %dma_wait3A_248] : memref<10000x128xf32, #tpu.memory_space<hbm>> -> memref<10000x128xf32, #tpu.memory_space<hbm>>
      tpu.wait_indirect_dma semaphore(%arg15 : memref<!tpu.dma_semaphore, #tpu.memory_space<semaphore_mem>>) src(%dma_wait3A_249 : memref<10000x128xf32, #tpu.memory_space<hbm>>) dst(%arg11 : memref<128x128xf32, #tpu.memory_space<vmem>>)
      %run_scoped3A_250 = arith.constant 5 : i32
      "tpu.region"() ({
        %run_scoped3A_281 = tpu.sem_alloc : memref<!tpu.dma_semaphore, #tpu.memory_space<semaphore_mem>>
        %dma_start3A_282 = arith.constant 0 : i32
        %dma_start3A_283 = tpu.memref_slice %arg7[%run_scoped3A_250, %dma_start3A_282] : memref<8x128xi32, #tpu.memory_space<vmem>> -> memref<1x128xi32, #tpu.memory_space<vmem>>
        %dma_start3A_284 = tpu.memref_squeeze %dma_start3A_283 : memref<1x128xi32, #tpu.memory_space<vmem>> -> memref<128xi32, #tpu.memory_space<vmem>>
        %dma_start3A_285 = arith.constant 0 : i32
        %dma_start3A_286 = arith.constant 0 : i32
        %dma_start3A_287 = tpu.memref_slice %arg16[%dma_start3A_285, %dma_start3A_286] : memref<10112x128xf32, #tpu.memory_space<vmem_shared>> -> memref<10112x128xf32, #tpu.memory_space<vmem_shared>>
        tpu.enqueue_indirect_dma source(%arg11 : memref<128x128xf32, #tpu.memory_space<vmem>>) target(%dma_start3A_287 : memref<10112x128xf32, #tpu.memory_space<vmem_shared>>) offsets(%dma_start3A_284 : memref<128xi32, #tpu.memory_space<vmem>>) semaphore(%run_scoped3A_281 : memref<!tpu.dma_semaphore, #tpu.memory_space<semaphore_mem>>) {add = true}
        %dma_wait3A_288 = arith.constant 0 : i32
        %dma_wait3A_289 = tpu.memref_slice %arg7[%run_scoped3A_250, %dma_wait3A_288] : memref<8x128xi32, #tpu.memory_space<vmem>> -> memref<1x128xi32, #tpu.memory_space<vmem>>
        %dma_wait3A_290 = tpu.memref_squeeze %dma_wait3A_289 : memref<1x128xi32, #tpu.memory_space<vmem>> -> memref<128xi32, #tpu.memory_space<vmem>>
        %dma_wait3A_291 = arith.constant 0 : i32
        %dma_wait3A_292 = arith.constant 0 : i32
        %dma_wait3A_293 = tpu.memref_slice %arg16[%dma_wait3A_291, %dma_wait3A_292] : memref<10112x128xf32, #tpu.memory_space<vmem_shared>> -> memref<10112x128xf32, #tpu.memory_space<vmem_shared>>
        tpu.wait_indirect_dma semaphore(%run_scoped3A_281 : memref<!tpu.dma_semaphore, #tpu.memory_space<semaphore_mem>>) src(%arg11 : memref<128x128xf32, #tpu.memory_space<vmem>>) dst(%dma_wait3A_293 : memref<10112x128xf32, #tpu.memory_space<vmem_shared>>)
        tpu.yield
      }) : () -> ()
      %dma_start3A_251 = arith.constant 7 : i32
      %dma_start3A_252 = arith.constant 0 : i32
      %dma_start3A_253 = tpu.memref_slice %arg6[%dma_start3A_251, %dma_start3A_252] : memref<8x128xi32, #tpu.memory_space<vmem>> -> memref<1x128xi32, #tpu.memory_space<vmem>>
      %dma_start3A_254 = tpu.memref_squeeze %dma_start3A_253 : memref<1x128xi32, #tpu.memory_space<vmem>> -> memref<128xi32, #tpu.memory_space<vmem>>
      %dma_start3A_255 = arith.constant 0 : i32
      %dma_start3A_256 = arith.constant 0 : i32
      %dma_start3A_257 = tpu.memref_slice %arg2[%dma_start3A_255, %dma_start3A_256] : memref<10000x128xf32, #tpu.memory_space<hbm>> -> memref<10000x128xf32, #tpu.memory_space<hbm>>
      tpu.enqueue_indirect_dma source(%dma_start3A_257 : memref<10000x128xf32, #tpu.memory_space<hbm>>) target(%arg11 : memref<128x128xf32, #tpu.memory_space<vmem>>) offsets(%dma_start3A_254 : memref<128xi32, #tpu.memory_space<vmem>>) semaphore(%arg15 : memref<!tpu.dma_semaphore, #tpu.memory_space<semaphore_mem>>)
      %dma_wait3A_258 = arith.constant 6 : i32
      %dma_wait3A_259 = arith.constant 0 : i32
      %dma_wait3A_260 = tpu.memref_slice %arg6[%dma_wait3A_258, %dma_wait3A_259] : memref<8x128xi32, #tpu.memory_space<vmem>> -> memref<1x128xi32, #tpu.memory_space<vmem>>
      %dma_wait3A_261 = tpu.memref_squeeze %dma_wait3A_260 : memref<1x128xi32, #tpu.memory_space<vmem>> -> memref<128xi32, #tpu.memory_space<vmem>>
      %dma_wait3A_262 = arith.constant 0 : i32
      %dma_wait3A_263 = arith.constant 0 : i32
      %dma_wait3A_264 = tpu.memref_slice %arg2[%dma_wait3A_262, %dma_wait3A_263] : memref<10000x128xf32, #tpu.memory_space<hbm>> -> memref<10000x128xf32, #tpu.memory_space<hbm>>
      tpu.wait_indirect_dma semaphore(%arg14 : memref<!tpu.dma_semaphore, #tpu.memory_space<semaphore_mem>>) src(%dma_wait3A_264 : memref<10000x128xf32, #tpu.memory_space<hbm>>) dst(%arg10 : memref<128x128xf32, #tpu.memory_space<vmem>>)
      %run_scoped3A_265 = arith.constant 6 : i32
      "tpu.region"() ({
        %run_scoped3A_281 = tpu.sem_alloc : memref<!tpu.dma_semaphore, #tpu.memory_space<semaphore_mem>>
        %dma_start3A_282 = arith.constant 0 : i32
        %dma_start3A_283 = tpu.memref_slice %arg7[%run_scoped3A_265, %dma_start3A_282] : memref<8x128xi32, #tpu.memory_space<vmem>> -> memref<1x128xi32, #tpu.memory_space<vmem>>
        %dma_start3A_284 = tpu.memref_squeeze %dma_start3A_283 : memref<1x128xi32, #tpu.memory_space<vmem>> -> memref<128xi32, #tpu.memory_space<vmem>>
        %dma_start3A_285 = arith.constant 0 : i32
        %dma_start3A_286 = arith.constant 0 : i32
        %dma_start3A_287 = tpu.memref_slice %arg16[%dma_start3A_285, %dma_start3A_286] : memref<10112x128xf32, #tpu.memory_space<vmem_shared>> -> memref<10112x128xf32, #tpu.memory_space<vmem_shared>>
        tpu.enqueue_indirect_dma source(%arg10 : memref<128x128xf32, #tpu.memory_space<vmem>>) target(%dma_start3A_287 : memref<10112x128xf32, #tpu.memory_space<vmem_shared>>) offsets(%dma_start3A_284 : memref<128xi32, #tpu.memory_space<vmem>>) semaphore(%run_scoped3A_281 : memref<!tpu.dma_semaphore, #tpu.memory_space<semaphore_mem>>) {add = true}
        %dma_wait3A_288 = arith.constant 0 : i32
        %dma_wait3A_289 = tpu.memref_slice %arg7[%run_scoped3A_265, %dma_wait3A_288] : memref<8x128xi32, #tpu.memory_space<vmem>> -> memref<1x128xi32, #tpu.memory_space<vmem>>
        %dma_wait3A_290 = tpu.memref_squeeze %dma_wait3A_289 : memref<1x128xi32, #tpu.memory_space<vmem>> -> memref<128xi32, #tpu.memory_space<vmem>>
        %dma_wait3A_291 = arith.constant 0 : i32
        %dma_wait3A_292 = arith.constant 0 : i32
        %dma_wait3A_293 = tpu.memref_slice %arg16[%dma_wait3A_291, %dma_wait3A_292] : memref<10112x128xf32, #tpu.memory_space<vmem_shared>> -> memref<10112x128xf32, #tpu.memory_space<vmem_shared>>
        tpu.wait_indirect_dma semaphore(%run_scoped3A_281 : memref<!tpu.dma_semaphore, #tpu.memory_space<semaphore_mem>>) src(%arg10 : memref<128x128xf32, #tpu.memory_space<vmem>>) dst(%dma_wait3A_293 : memref<10112x128xf32, #tpu.memory_space<vmem_shared>>)
        tpu.yield
      }) : () -> ()
      %dma_wait3A_266 = arith.constant 7 : i32
      %dma_wait3A_267 = arith.constant 0 : i32
      %dma_wait3A_268 = tpu.memref_slice %arg6[%dma_wait3A_266, %dma_wait3A_267] : memref<8x128xi32, #tpu.memory_space<vmem>> -> memref<1x128xi32, #tpu.memory_space<vmem>>
      %dma_wait3A_269 = tpu.memref_squeeze %dma_wait3A_268 : memref<1x128xi32, #tpu.memory_space<vmem>> -> memref<128xi32, #tpu.memory_space<vmem>>
      %dma_wait3A_270 = arith.constant 0 : i32
      %dma_wait3A_271 = arith.constant 0 : i32
      %dma_wait3A_272 = tpu.memref_slice %arg2[%dma_wait3A_270, %dma_wait3A_271] : memref<10000x128xf32, #tpu.memory_space<hbm>> -> memref<10000x128xf32, #tpu.memory_space<hbm>>
      tpu.wait_indirect_dma semaphore(%arg15 : memref<!tpu.dma_semaphore, #tpu.memory_space<semaphore_mem>>) src(%dma_wait3A_272 : memref<10000x128xf32, #tpu.memory_space<hbm>>) dst(%arg11 : memref<128x128xf32, #tpu.memory_space<vmem>>)
      %run_scoped3A_273 = arith.constant 7 : i32
      "tpu.region"() ({
        %run_scoped3A_281 = tpu.sem_alloc : memref<!tpu.dma_semaphore, #tpu.memory_space<semaphore_mem>>
        %dma_start3A_282 = arith.constant 0 : i32
        %dma_start3A_283 = tpu.memref_slice %arg7[%run_scoped3A_273, %dma_start3A_282] : memref<8x128xi32, #tpu.memory_space<vmem>> -> memref<1x128xi32, #tpu.memory_space<vmem>>
        %dma_start3A_284 = tpu.memref_squeeze %dma_start3A_283 : memref<1x128xi32, #tpu.memory_space<vmem>> -> memref<128xi32, #tpu.memory_space<vmem>>
        %dma_start3A_285 = arith.constant 0 : i32
        %dma_start3A_286 = arith.constant 0 : i32
        %dma_start3A_287 = tpu.memref_slice %arg16[%dma_start3A_285, %dma_start3A_286] : memref<10112x128xf32, #tpu.memory_space<vmem_shared>> -> memref<10112x128xf32, #tpu.memory_space<vmem_shared>>
        tpu.enqueue_indirect_dma source(%arg11 : memref<128x128xf32, #tpu.memory_space<vmem>>) target(%dma_start3A_287 : memref<10112x128xf32, #tpu.memory_space<vmem_shared>>) offsets(%dma_start3A_284 : memref<128xi32, #tpu.memory_space<vmem>>) semaphore(%run_scoped3A_281 : memref<!tpu.dma_semaphore, #tpu.memory_space<semaphore_mem>>) {add = true}
        %dma_wait3A_288 = arith.constant 0 : i32
        %dma_wait3A_289 = tpu.memref_slice %arg7[%run_scoped3A_273, %dma_wait3A_288] : memref<8x128xi32, #tpu.memory_space<vmem>> -> memref<1x128xi32, #tpu.memory_space<vmem>>
        %dma_wait3A_290 = tpu.memref_squeeze %dma_wait3A_289 : memref<1x128xi32, #tpu.memory_space<vmem>> -> memref<128xi32, #tpu.memory_space<vmem>>
        %dma_wait3A_291 = arith.constant 0 : i32
        %dma_wait3A_292 = arith.constant 0 : i32
        %dma_wait3A_293 = tpu.memref_slice %arg16[%dma_wait3A_291, %dma_wait3A_292] : memref<10112x128xf32, #tpu.memory_space<vmem_shared>> -> memref<10112x128xf32, #tpu.memory_space<vmem_shared>>
        tpu.wait_indirect_dma semaphore(%run_scoped3A_281 : memref<!tpu.dma_semaphore, #tpu.memory_space<semaphore_mem>>) src(%arg11 : memref<128x128xf32, #tpu.memory_space<vmem>>) dst(%dma_wait3A_293 : memref<10112x128xf32, #tpu.memory_space<vmem_shared>>)
        tpu.yield
      }) : () -> ()
      %add3A_274 = arith.constant 1 : i32
      %add3A_275 = arith.addi %scan3A_114, %add3A_274 : i32
      %lt3A = arith.constant 5 : i32
      %lt3A_276 = arith.cmpi slt, %add3A_275, %lt3A : i32
      %convert_element_type3A_277 = arith.extui %lt3A_276 : i1 to i32
      %cond3A_278 = arith.constant 0 : i32
      %cond3A_279 = arith.cmpi ne, %convert_element_type3A_277, %cond3A_278 : i32
      scf.if %cond3A_279 {
        %add3A_281 = arith.constant 2 : i32
        %add3A_282 = arith.addi %add3A_119, %add3A_281 : i32
        %dma_start3A_283 = arith.constant 0 : i32
        %dma_start3A_284 = arith.constant 0 : i32
        %dma_start3A_285 = arith.constant 0 : i32
        %dma_start3A_286 = tpu.memref_slice %arg3[%add3A, %dma_start3A_283, %dma_start3A_284, %dma_start3A_285] : memref<32x10x8x128xi32, #tpu.memory_space<hbm>> -> memref<1x10x8x128xi32, #tpu.memory_space<hbm>>
        %dma_start3A_287 = tpu.memref_squeeze %dma_start3A_286 : memref<1x10x8x128xi32, #tpu.memory_space<hbm>> -> memref<10x8x128xi32, #tpu.memory_space<hbm>>
        %dma_start3A_288 = arith.constant 0 : i32
        %dma_start3A_289 = arith.constant 0 : i32
        %dma_start3A_290 = tpu.memref_slice %dma_start3A_287[%add3A_282, %dma_start3A_288, %dma_start3A_289] : memref<10x8x128xi32, #tpu.memory_space<hbm>> -> memref<1x8x128xi32, #tpu.memory_space<hbm>>
        %dma_start3A_291 = tpu.memref_squeeze %dma_start3A_290 : memref<1x8x128xi32, #tpu.memory_space<hbm>> -> memref<8x128xi32, #tpu.memory_space<hbm>>
        %dma_start3A_292 = arith.constant 0 : i32
        %dma_start3A_293 = arith.constant 0 : i32
        %dma_start3A_294 = arith.constant 0 : i32
        %dma_start3A_295 = tpu.memref_slice %arg3[%add3A, %dma_start3A_292, %dma_start3A_293, %dma_start3A_294] : memref<32x10x8x128xi32, #tpu.memory_space<hbm>> -> memref<1x10x8x128xi32, #tpu.memory_space<hbm>>
        %dma_start3A_296 = tpu.memref_squeeze %dma_start3A_295 : memref<1x10x8x128xi32, #tpu.memory_space<hbm>> -> memref<10x8x128xi32, #tpu.memory_space<hbm>>
        %dma_start3A_297 = arith.constant 0 : i32
        %dma_start3A_298 = arith.constant 0 : i32
        %dma_start3A_299 = tpu.memref_slice %dma_start3A_296[%add3A_282, %dma_start3A_297, %dma_start3A_298] : memref<10x8x128xi32, #tpu.memory_space<hbm>> -> memref<1x8x128xi32, #tpu.memory_space<hbm>>
        %dma_start3A_300 = tpu.memref_squeeze %dma_start3A_299 : memref<1x8x128xi32, #tpu.memory_space<hbm>> -> memref<8x128xi32, #tpu.memory_space<hbm>>
        tpu.enqueue_dma source(%dma_start3A_300 : memref<8x128xi32, #tpu.memory_space<hbm>>) target(%arg6 : memref<8x128xi32, #tpu.memory_space<vmem>>) target_semaphore(%arg12 : memref<!tpu.dma_semaphore, #tpu.memory_space<semaphore_mem>>)
        %dma_start3A_301 = arith.constant 0 : i32
        %dma_start3A_302 = arith.constant 0 : i32
        %dma_start3A_303 = arith.constant 0 : i32
        %dma_start3A_304 = tpu.memref_slice %arg4[%add3A, %dma_start3A_301, %dma_start3A_302, %dma_start3A_303] : memref<32x10x8x128xi32, #tpu.memory_space<hbm>> -> memref<1x10x8x128xi32, #tpu.memory_space<hbm>>
        %dma_start3A_305 = tpu.memref_squeeze %dma_start3A_304 : memref<1x10x8x128xi32, #tpu.memory_space<hbm>> -> memref<10x8x128xi32, #tpu.memory_space<hbm>>
        %dma_start3A_306 = arith.constant 0 : i32
        %dma_start3A_307 = arith.constant 0 : i32
        %dma_start3A_308 = tpu.memref_slice %dma_start3A_305[%add3A_282, %dma_start3A_306, %dma_start3A_307] : memref<10x8x128xi32, #tpu.memory_space<hbm>> -> memref<1x8x128xi32, #tpu.memory_space<hbm>>
        %dma_start3A_309 = tpu.memref_squeeze %dma_start3A_308 : memref<1x8x128xi32, #tpu.memory_space<hbm>> -> memref<8x128xi32, #tpu.memory_space<hbm>>
        %dma_start3A_310 = arith.constant 0 : i32
        %dma_start3A_311 = arith.constant 0 : i32
        %dma_start3A_312 = arith.constant 0 : i32
        %dma_start3A_313 = tpu.memref_slice %arg4[%add3A, %dma_start3A_310, %dma_start3A_311, %dma_start3A_312] : memref<32x10x8x128xi32, #tpu.memory_space<hbm>> -> memref<1x10x8x128xi32, #tpu.memory_space<hbm>>
        %dma_start3A_314 = tpu.memref_squeeze %dma_start3A_313 : memref<1x10x8x128xi32, #tpu.memory_space<hbm>> -> memref<10x8x128xi32, #tpu.memory_space<hbm>>
        %dma_start3A_315 = arith.constant 0 : i32
        %dma_start3A_316 = arith.constant 0 : i32
        %dma_start3A_317 = tpu.memref_slice %dma_start3A_314[%add3A_282, %dma_start3A_315, %dma_start3A_316] : memref<10x8x128xi32, #tpu.memory_space<hbm>> -> memref<1x8x128xi32, #tpu.memory_space<hbm>>
        %dma_start3A_318 = tpu.memref_squeeze %dma_start3A_317 : memref<1x8x128xi32, #tpu.memory_space<hbm>> -> memref<8x128xi32, #tpu.memory_space<hbm>>
        tpu.enqueue_dma source(%dma_start3A_318 : memref<8x128xi32, #tpu.memory_space<hbm>>) target(%arg7 : memref<8x128xi32, #tpu.memory_space<vmem>>) target_semaphore(%arg12 : memref<!tpu.dma_semaphore, #tpu.memory_space<semaphore_mem>>)
      } else {
      }
      %scan3A_280 = arith.constant 0 : i32
      scf.yield %scan3A_280 : i32
    }
    %scan3A_101 = arith.constant 5 : i32
    %scan3A_102 = arith.constant 0 : i32
    %scan3A_103 = arith.constant 0 : i32
    %scan3A_104 = arith.constant 5 : i32
    %scan3A_105 = arith.addi %scan3A_103, %scan3A_104 : i32
    %scan3A_106 = arith.constant 1 : i32
    %scan3A_107 = scf.for %scan3A_114 = %scan3A_103 to %scan3A_105 step %scan3A_106 iter_args(%scan3A_115 = %scan3A_102) -> (i32)  : i32 {
      %mul3A_116 = arith.constant 2 : i32
      %mul3A_117 = arith.muli %mul3A_116, %scan3A_114 : i32
      %add3A_118 = arith.constant 1 : i32
      %add3A_119 = arith.addi %mul3A_117, %add3A_118 : i32
      %dma_wait3A = arith.constant 0 : i32
      %dma_wait3A_120 = arith.constant 0 : i32
      %dma_wait3A_121 = arith.constant 0 : i32
      %dma_wait3A_122 = tpu.memref_slice %arg3[%add3A, %dma_wait3A, %dma_wait3A_120, %dma_wait3A_121] : memref<32x10x8x128xi32, #tpu.memory_space<hbm>> -> memref<1x10x8x128xi32, #tpu.memory_space<hbm>>
      %dma_wait3A_123 = tpu.memref_squeeze %dma_wait3A_122 : memref<1x10x8x128xi32, #tpu.memory_space<hbm>> -> memref<10x8x128xi32, #tpu.memory_space<hbm>>
      %dma_wait3A_124 = arith.constant 0 : i32
      %dma_wait3A_125 = arith.constant 0 : i32
      %dma_wait3A_126 = tpu.memref_slice %dma_wait3A_123[%add3A_119, %dma_wait3A_124, %dma_wait3A_125] : memref<10x8x128xi32, #tpu.memory_space<hbm>> -> memref<1x8x128xi32, #tpu.memory_space<hbm>>
      %dma_wait3A_127 = tpu.memref_squeeze %dma_wait3A_126 : memref<1x8x128xi32, #tpu.memory_space<hbm>> -> memref<8x128xi32, #tpu.memory_space<hbm>>
      %dma_wait3A_128 = arith.constant 0 : i32
      %dma_wait3A_129 = arith.constant 0 : i32
      %dma_wait3A_130 = arith.constant 0 : i32
      %dma_wait3A_131 = tpu.memref_slice %arg3[%add3A, %dma_wait3A_128, %dma_wait3A_129, %dma_wait3A_130] : memref<32x10x8x128xi32, #tpu.memory_space<hbm>> -> memref<1x10x8x128xi32, #tpu.memory_space<hbm>>
      %dma_wait3A_132 = tpu.memref_squeeze %dma_wait3A_131 : memref<1x10x8x128xi32, #tpu.memory_space<hbm>> -> memref<10x8x128xi32, #tpu.memory_space<hbm>>
      %dma_wait3A_133 = arith.constant 0 : i32
      %dma_wait3A_134 = arith.constant 0 : i32
      %dma_wait3A_135 = tpu.memref_slice %dma_wait3A_132[%add3A_119, %dma_wait3A_133, %dma_wait3A_134] : memref<10x8x128xi32, #tpu.memory_space<hbm>> -> memref<1x8x128xi32, #tpu.memory_space<hbm>>
      %dma_wait3A_136 = tpu.memref_squeeze %dma_wait3A_135 : memref<1x8x128xi32, #tpu.memory_space<hbm>> -> memref<8x128xi32, #tpu.memory_space<hbm>>
      tpu.wait_dma2 semaphore(%arg13 : memref<!tpu.dma_semaphore, #tpu.memory_space<semaphore_mem>>) src(%dma_wait3A_136 : memref<8x128xi32, #tpu.memory_space<hbm>>) dst(%arg8 : memref<8x128xi32, #tpu.memory_space<vmem>>)
      %dma_wait3A_137 = arith.constant 0 : i32
      %dma_wait3A_138 = arith.constant 0 : i32
      %dma_wait3A_139 = arith.constant 0 : i32
      %dma_wait3A_140 = tpu.memref_slice %arg4[%add3A, %dma_wait3A_137, %dma_wait3A_138, %dma_wait3A_139] : memref<32x10x8x128xi32, #tpu.memory_space<hbm>> -> memref<1x10x8x128xi32, #tpu.memory_space<hbm>>
      %dma_wait3A_141 = tpu.memref_squeeze %dma_wait3A_140 : memref<1x10x8x128xi32, #tpu.memory_space<hbm>> -> memref<10x8x128xi32, #tpu.memory_space<hbm>>
      %dma_wait3A_142 = arith.constant 0 : i32
      %dma_wait3A_143 = arith.constant 0 : i32
      %dma_wait3A_144 = tpu.memref_slice %dma_wait3A_141[%add3A_119, %dma_wait3A_142, %dma_wait3A_143] : memref<10x8x128xi32, #tpu.memory_space<hbm>> -> memref<1x8x128xi32, #tpu.memory_space<hbm>>
      %dma_wait3A_145 = tpu.memref_squeeze %dma_wait3A_144 : memref<1x8x128xi32, #tpu.memory_space<hbm>> -> memref<8x128xi32, #tpu.memory_space<hbm>>
      %dma_wait3A_146 = arith.constant 0 : i32
      %dma_wait3A_147 = arith.constant 0 : i32
      %dma_wait3A_148 = arith.constant 0 : i32
      %dma_wait3A_149 = tpu.memref_slice %arg4[%add3A, %dma_wait3A_146, %dma_wait3A_147, %dma_wait3A_148] : memref<32x10x8x128xi32, #tpu.memory_space<hbm>> -> memref<1x10x8x128xi32, #tpu.memory_space<hbm>>
      %dma_wait3A_150 = tpu.memref_squeeze %dma_wait3A_149 : memref<1x10x8x128xi32, #tpu.memory_space<hbm>> -> memref<10x8x128xi32, #tpu.memory_space<hbm>>
      %dma_wait3A_151 = arith.constant 0 : i32
      %dma_wait3A_152 = arith.constant 0 : i32
      %dma_wait3A_153 = tpu.memref_slice %dma_wait3A_150[%add3A_119, %dma_wait3A_151, %dma_wait3A_152] : memref<10x8x128xi32, #tpu.memory_space<hbm>> -> memref<1x8x128xi32, #tpu.memory_space<hbm>>
      %dma_wait3A_154 = tpu.memref_squeeze %dma_wait3A_153 : memref<1x8x128xi32, #tpu.memory_space<hbm>> -> memref<8x128xi32, #tpu.memory_space<hbm>>
      tpu.wait_dma2 semaphore(%arg13 : memref<!tpu.dma_semaphore, #tpu.memory_space<semaphore_mem>>) src(%dma_wait3A_154 : memref<8x128xi32, #tpu.memory_space<hbm>>) dst(%arg9 : memref<8x128xi32, #tpu.memory_space<vmem>>)
      %dma_start3A_155 = arith.constant 0 : i32
      %dma_start3A_156 = arith.constant 0 : i32
      %dma_start3A_157 = tpu.memref_slice %arg8[%dma_start3A_155, %dma_start3A_156] : memref<8x128xi32, #tpu.memory_space<vmem>> -> memref<1x128xi32, #tpu.memory_space<vmem>>
      %dma_start3A_158 = tpu.memref_squeeze %dma_start3A_157 : memref<1x128xi32, #tpu.memory_space<vmem>> -> memref<128xi32, #tpu.memory_space<vmem>>
      %dma_start3A_159 = arith.constant 0 : i32
      %dma_start3A_160 = arith.constant 0 : i32
      %dma_start3A_161 = tpu.memref_slice %arg2[%dma_start3A_159, %dma_start3A_160] : memref<10000x128xf32, #tpu.memory_space<hbm>> -> memref<10000x128xf32, #tpu.memory_space<hbm>>
      tpu.enqueue_indirect_dma source(%dma_start3A_161 : memref<10000x128xf32, #tpu.memory_space<hbm>>) target(%arg10 : memref<128x128xf32, #tpu.memory_space<vmem>>) offsets(%dma_start3A_158 : memref<128xi32, #tpu.memory_space<vmem>>) semaphore(%arg14 : memref<!tpu.dma_semaphore, #tpu.memory_space<semaphore_mem>>)
      %dma_start3A_162 = arith.constant 1 : i32
      %dma_start3A_163 = arith.constant 0 : i32
      %dma_start3A_164 = tpu.memref_slice %arg8[%dma_start3A_162, %dma_start3A_163] : memref<8x128xi32, #tpu.memory_space<vmem>> -> memref<1x128xi32, #tpu.memory_space<vmem>>
      %dma_start3A_165 = tpu.memref_squeeze %dma_start3A_164 : memref<1x128xi32, #tpu.memory_space<vmem>> -> memref<128xi32, #tpu.memory_space<vmem>>
      %dma_start3A_166 = arith.constant 0 : i32
      %dma_start3A_167 = arith.constant 0 : i32
      %dma_start3A_168 = tpu.memref_slice %arg2[%dma_start3A_166, %dma_start3A_167] : memref<10000x128xf32, #tpu.memory_space<hbm>> -> memref<10000x128xf32, #tpu.memory_space<hbm>>
      tpu.enqueue_indirect_dma source(%dma_start3A_168 : memref<10000x128xf32, #tpu.memory_space<hbm>>) target(%arg11 : memref<128x128xf32, #tpu.memory_space<vmem>>) offsets(%dma_start3A_165 : memref<128xi32, #tpu.memory_space<vmem>>) semaphore(%arg15 : memref<!tpu.dma_semaphore, #tpu.memory_space<semaphore_mem>>)
      %dma_wait3A_169 = arith.constant 0 : i32
      %dma_wait3A_170 = arith.constant 0 : i32
      %dma_wait3A_171 = tpu.memref_slice %arg8[%dma_wait3A_169, %dma_wait3A_170] : memref<8x128xi32, #tpu.memory_space<vmem>> -> memref<1x128xi32, #tpu.memory_space<vmem>>
      %dma_wait3A_172 = tpu.memref_squeeze %dma_wait3A_171 : memref<1x128xi32, #tpu.memory_space<vmem>> -> memref<128xi32, #tpu.memory_space<vmem>>
      %dma_wait3A_173 = arith.constant 0 : i32
      %dma_wait3A_174 = arith.constant 0 : i32
      %dma_wait3A_175 = tpu.memref_slice %arg2[%dma_wait3A_173, %dma_wait3A_174] : memref<10000x128xf32, #tpu.memory_space<hbm>> -> memref<10000x128xf32, #tpu.memory_space<hbm>>
      tpu.wait_indirect_dma semaphore(%arg14 : memref<!tpu.dma_semaphore, #tpu.memory_space<semaphore_mem>>) src(%dma_wait3A_175 : memref<10000x128xf32, #tpu.memory_space<hbm>>) dst(%arg10 : memref<128x128xf32, #tpu.memory_space<vmem>>)
      %run_scoped3A = arith.constant 0 : i32
      "tpu.region"() ({
        %run_scoped3A_281 = tpu.sem_alloc : memref<!tpu.dma_semaphore, #tpu.memory_space<semaphore_mem>>
        %dma_start3A_282 = arith.constant 0 : i32
        %dma_start3A_283 = tpu.memref_slice %arg9[%run_scoped3A, %dma_start3A_282] : memref<8x128xi32, #tpu.memory_space<vmem>> -> memref<1x128xi32, #tpu.memory_space<vmem>>
        %dma_start3A_284 = tpu.memref_squeeze %dma_start3A_283 : memref<1x128xi32, #tpu.memory_space<vmem>> -> memref<128xi32, #tpu.memory_space<vmem>>
        %dma_start3A_285 = arith.constant 0 : i32
        %dma_start3A_286 = arith.constant 0 : i32
        %dma_start3A_287 = tpu.memref_slice %arg16[%dma_start3A_285, %dma_start3A_286] : memref<10112x128xf32, #tpu.memory_space<vmem_shared>> -> memref<10112x128xf32, #tpu.memory_space<vmem_shared>>
        tpu.enqueue_indirect_dma source(%arg10 : memref<128x128xf32, #tpu.memory_space<vmem>>) target(%dma_start3A_287 : memref<10112x128xf32, #tpu.memory_space<vmem_shared>>) offsets(%dma_start3A_284 : memref<128xi32, #tpu.memory_space<vmem>>) semaphore(%run_scoped3A_281 : memref<!tpu.dma_semaphore, #tpu.memory_space<semaphore_mem>>) {add = true}
        %dma_wait3A_288 = arith.constant 0 : i32
        %dma_wait3A_289 = tpu.memref_slice %arg9[%run_scoped3A, %dma_wait3A_288] : memref<8x128xi32, #tpu.memory_space<vmem>> -> memref<1x128xi32, #tpu.memory_space<vmem>>
        %dma_wait3A_290 = tpu.memref_squeeze %dma_wait3A_289 : memref<1x128xi32, #tpu.memory_space<vmem>> -> memref<128xi32, #tpu.memory_space<vmem>>
        %dma_wait3A_291 = arith.constant 0 : i32
        %dma_wait3A_292 = arith.constant 0 : i32
        %dma_wait3A_293 = tpu.memref_slice %arg16[%dma_wait3A_291, %dma_wait3A_292] : memref<10112x128xf32, #tpu.memory_space<vmem_shared>> -> memref<10112x128xf32, #tpu.memory_space<vmem_shared>>
        tpu.wait_indirect_dma semaphore(%run_scoped3A_281 : memref<!tpu.dma_semaphore, #tpu.memory_space<semaphore_mem>>) src(%arg10 : memref<128x128xf32, #tpu.memory_space<vmem>>) dst(%dma_wait3A_293 : memref<10112x128xf32, #tpu.memory_space<vmem_shared>>)
        tpu.yield
      }) : () -> ()
      %dma_start3A_176 = arith.constant 2 : i32
      %dma_start3A_177 = arith.constant 0 : i32
      %dma_start3A_178 = tpu.memref_slice %arg8[%dma_start3A_176, %dma_start3A_177] : memref<8x128xi32, #tpu.memory_space<vmem>> -> memref<1x128xi32, #tpu.memory_space<vmem>>
      %dma_start3A_179 = tpu.memref_squeeze %dma_start3A_178 : memref<1x128xi32, #tpu.memory_space<vmem>> -> memref<128xi32, #tpu.memory_space<vmem>>
      %dma_start3A_180 = arith.constant 0 : i32
      %dma_start3A_181 = arith.constant 0 : i32
      %dma_start3A_182 = tpu.memref_slice %arg2[%dma_start3A_180, %dma_start3A_181] : memref<10000x128xf32, #tpu.memory_space<hbm>> -> memref<10000x128xf32, #tpu.memory_space<hbm>>
      tpu.enqueue_indirect_dma source(%dma_start3A_182 : memref<10000x128xf32, #tpu.memory_space<hbm>>) target(%arg10 : memref<128x128xf32, #tpu.memory_space<vmem>>) offsets(%dma_start3A_179 : memref<128xi32, #tpu.memory_space<vmem>>) semaphore(%arg14 : memref<!tpu.dma_semaphore, #tpu.memory_space<semaphore_mem>>)
      %dma_wait3A_183 = arith.constant 1 : i32
      %dma_wait3A_184 = arith.constant 0 : i32
      %dma_wait3A_185 = tpu.memref_slice %arg8[%dma_wait3A_183, %dma_wait3A_184] : memref<8x128xi32, #tpu.memory_space<vmem>> -> memref<1x128xi32, #tpu.memory_space<vmem>>
      %dma_wait3A_186 = tpu.memref_squeeze %dma_wait3A_185 : memref<1x128xi32, #tpu.memory_space<vmem>> -> memref<128xi32, #tpu.memory_space<vmem>>
      %dma_wait3A_187 = arith.constant 0 : i32
      %dma_wait3A_188 = arith.constant 0 : i32
      %dma_wait3A_189 = tpu.memref_slice %arg2[%dma_wait3A_187, %dma_wait3A_188] : memref<10000x128xf32, #tpu.memory_space<hbm>> -> memref<10000x128xf32, #tpu.memory_space<hbm>>
      tpu.wait_indirect_dma semaphore(%arg15 : memref<!tpu.dma_semaphore, #tpu.memory_space<semaphore_mem>>) src(%dma_wait3A_189 : memref<10000x128xf32, #tpu.memory_space<hbm>>) dst(%arg11 : memref<128x128xf32, #tpu.memory_space<vmem>>)
      %run_scoped3A_190 = arith.constant 1 : i32
      "tpu.region"() ({
        %run_scoped3A_281 = tpu.sem_alloc : memref<!tpu.dma_semaphore, #tpu.memory_space<semaphore_mem>>
        %dma_start3A_282 = arith.constant 0 : i32
        %dma_start3A_283 = tpu.memref_slice %arg9[%run_scoped3A_190, %dma_start3A_282] : memref<8x128xi32, #tpu.memory_space<vmem>> -> memref<1x128xi32, #tpu.memory_space<vmem>>
        %dma_start3A_284 = tpu.memref_squeeze %dma_start3A_283 : memref<1x128xi32, #tpu.memory_space<vmem>> -> memref<128xi32, #tpu.memory_space<vmem>>
        %dma_start3A_285 = arith.constant 0 : i32
        %dma_start3A_286 = arith.constant 0 : i32
        %dma_start3A_287 = tpu.memref_slice %arg16[%dma_start3A_285, %dma_start3A_286] : memref<10112x128xf32, #tpu.memory_space<vmem_shared>> -> memref<10112x128xf32, #tpu.memory_space<vmem_shared>>
        tpu.enqueue_indirect_dma source(%arg11 : memref<128x128xf32, #tpu.memory_space<vmem>>) target(%dma_start3A_287 : memref<10112x128xf32, #tpu.memory_space<vmem_shared>>) offsets(%dma_start3A_284 : memref<128xi32, #tpu.memory_space<vmem>>) semaphore(%run_scoped3A_281 : memref<!tpu.dma_semaphore, #tpu.memory_space<semaphore_mem>>) {add = true}
        %dma_wait3A_288 = arith.constant 0 : i32
        %dma_wait3A_289 = tpu.memref_slice %arg9[%run_scoped3A_190, %dma_wait3A_288] : memref<8x128xi32, #tpu.memory_space<vmem>> -> memref<1x128xi32, #tpu.memory_space<vmem>>
        %dma_wait3A_290 = tpu.memref_squeeze %dma_wait3A_289 : memref<1x128xi32, #tpu.memory_space<vmem>> -> memref<128xi32, #tpu.memory_space<vmem>>
        %dma_wait3A_291 = arith.constant 0 : i32
        %dma_wait3A_292 = arith.constant 0 : i32
        %dma_wait3A_293 = tpu.memref_slice %arg16[%dma_wait3A_291, %dma_wait3A_292] : memref<10112x128xf32, #tpu.memory_space<vmem_shared>> -> memref<10112x128xf32, #tpu.memory_space<vmem_shared>>
        tpu.wait_indirect_dma semaphore(%run_scoped3A_281 : memref<!tpu.dma_semaphore, #tpu.memory_space<semaphore_mem>>) src(%arg11 : memref<128x128xf32, #tpu.memory_space<vmem>>) dst(%dma_wait3A_293 : memref<10112x128xf32, #tpu.memory_space<vmem_shared>>)
        tpu.yield
      }) : () -> ()
      %dma_start3A_191 = arith.constant 3 : i32
      %dma_start3A_192 = arith.constant 0 : i32
      %dma_start3A_193 = tpu.memref_slice %arg8[%dma_start3A_191, %dma_start3A_192] : memref<8x128xi32, #tpu.memory_space<vmem>> -> memref<1x128xi32, #tpu.memory_space<vmem>>
      %dma_start3A_194 = tpu.memref_squeeze %dma_start3A_193 : memref<1x128xi32, #tpu.memory_space<vmem>> -> memref<128xi32, #tpu.memory_space<vmem>>
      %dma_start3A_195 = arith.constant 0 : i32
      %dma_start3A_196 = arith.constant 0 : i32
      %dma_start3A_197 = tpu.memref_slice %arg2[%dma_start3A_195, %dma_start3A_196] : memref<10000x128xf32, #tpu.memory_space<hbm>> -> memref<10000x128xf32, #tpu.memory_space<hbm>>
      tpu.enqueue_indirect_dma source(%dma_start3A_197 : memref<10000x128xf32, #tpu.memory_space<hbm>>) target(%arg11 : memref<128x128xf32, #tpu.memory_space<vmem>>) offsets(%dma_start3A_194 : memref<128xi32, #tpu.memory_space<vmem>>) semaphore(%arg15 : memref<!tpu.dma_semaphore, #tpu.memory_space<semaphore_mem>>)
      %dma_wait3A_198 = arith.constant 2 : i32
      %dma_wait3A_199 = arith.constant 0 : i32
      %dma_wait3A_200 = tpu.memref_slice %arg8[%dma_wait3A_198, %dma_wait3A_199] : memref<8x128xi32, #tpu.memory_space<vmem>> -> memref<1x128xi32, #tpu.memory_space<vmem>>
      %dma_wait3A_201 = tpu.memref_squeeze %dma_wait3A_200 : memref<1x128xi32, #tpu.memory_space<vmem>> -> memref<128xi32, #tpu.memory_space<vmem>>
      %dma_wait3A_202 = arith.constant 0 : i32
      %dma_wait3A_203 = arith.constant 0 : i32
      %dma_wait3A_204 = tpu.memref_slice %arg2[%dma_wait3A_202, %dma_wait3A_203] : memref<10000x128xf32, #tpu.memory_space<hbm>> -> memref<10000x128xf32, #tpu.memory_space<hbm>>
      tpu.wait_indirect_dma semaphore(%arg14 : memref<!tpu.dma_semaphore, #tpu.memory_space<semaphore_mem>>) src(%dma_wait3A_204 : memref<10000x128xf32, #tpu.memory_space<hbm>>) dst(%arg10 : memref<128x128xf32, #tpu.memory_space<vmem>>)
      %run_scoped3A_205 = arith.constant 2 : i32
      "tpu.region"() ({
        %run_scoped3A_281 = tpu.sem_alloc : memref<!tpu.dma_semaphore, #tpu.memory_space<semaphore_mem>>
        %dma_start3A_282 = arith.constant 0 : i32
        %dma_start3A_283 = tpu.memref_slice %arg9[%run_scoped3A_205, %dma_start3A_282] : memref<8x128xi32, #tpu.memory_space<vmem>> -> memref<1x128xi32, #tpu.memory_space<vmem>>
        %dma_start3A_284 = tpu.memref_squeeze %dma_start3A_283 : memref<1x128xi32, #tpu.memory_space<vmem>> -> memref<128xi32, #tpu.memory_space<vmem>>
        %dma_start3A_285 = arith.constant 0 : i32
        %dma_start3A_286 = arith.constant 0 : i32
        %dma_start3A_287 = tpu.memref_slice %arg16[%dma_start3A_285, %dma_start3A_286] : memref<10112x128xf32, #tpu.memory_space<vmem_shared>> -> memref<10112x128xf32, #tpu.memory_space<vmem_shared>>
        tpu.enqueue_indirect_dma source(%arg10 : memref<128x128xf32, #tpu.memory_space<vmem>>) target(%dma_start3A_287 : memref<10112x128xf32, #tpu.memory_space<vmem_shared>>) offsets(%dma_start3A_284 : memref<128xi32, #tpu.memory_space<vmem>>) semaphore(%run_scoped3A_281 : memref<!tpu.dma_semaphore, #tpu.memory_space<semaphore_mem>>) {add = true}
        %dma_wait3A_288 = arith.constant 0 : i32
        %dma_wait3A_289 = tpu.memref_slice %arg9[%run_scoped3A_205, %dma_wait3A_288] : memref<8x128xi32, #tpu.memory_space<vmem>> -> memref<1x128xi32, #tpu.memory_space<vmem>>
        %dma_wait3A_290 = tpu.memref_squeeze %dma_wait3A_289 : memref<1x128xi32, #tpu.memory_space<vmem>> -> memref<128xi32, #tpu.memory_space<vmem>>
        %dma_wait3A_291 = arith.constant 0 : i32
        %dma_wait3A_292 = arith.constant 0 : i32
        %dma_wait3A_293 = tpu.memref_slice %arg16[%dma_wait3A_291, %dma_wait3A_292] : memref<10112x128xf32, #tpu.memory_space<vmem_shared>> -> memref<10112x128xf32, #tpu.memory_space<vmem_shared>>
        tpu.wait_indirect_dma semaphore(%run_scoped3A_281 : memref<!tpu.dma_semaphore, #tpu.memory_space<semaphore_mem>>) src(%arg10 : memref<128x128xf32, #tpu.memory_space<vmem>>) dst(%dma_wait3A_293 : memref<10112x128xf32, #tpu.memory_space<vmem_shared>>)
        tpu.yield
      }) : () -> ()
      %dma_start3A_206 = arith.constant 4 : i32
      %dma_start3A_207 = arith.constant 0 : i32
      %dma_start3A_208 = tpu.memref_slice %arg8[%dma_start3A_206, %dma_start3A_207] : memref<8x128xi32, #tpu.memory_space<vmem>> -> memref<1x128xi32, #tpu.memory_space<vmem>>
      %dma_start3A_209 = tpu.memref_squeeze %dma_start3A_208 : memref<1x128xi32, #tpu.memory_space<vmem>> -> memref<128xi32, #tpu.memory_space<vmem>>
      %dma_start3A_210 = arith.constant 0 : i32
      %dma_start3A_211 = arith.constant 0 : i32
      %dma_start3A_212 = tpu.memref_slice %arg2[%dma_start3A_210, %dma_start3A_211] : memref<10000x128xf32, #tpu.memory_space<hbm>> -> memref<10000x128xf32, #tpu.memory_space<hbm>>
      tpu.enqueue_indirect_dma source(%dma_start3A_212 : memref<10000x128xf32, #tpu.memory_space<hbm>>) target(%arg10 : memref<128x128xf32, #tpu.memory_space<vmem>>) offsets(%dma_start3A_209 : memref<128xi32, #tpu.memory_space<vmem>>) semaphore(%arg14 : memref<!tpu.dma_semaphore, #tpu.memory_space<semaphore_mem>>)
      %dma_wait3A_213 = arith.constant 3 : i32
      %dma_wait3A_214 = arith.constant 0 : i32
      %dma_wait3A_215 = tpu.memref_slice %arg8[%dma_wait3A_213, %dma_wait3A_214] : memref<8x128xi32, #tpu.memory_space<vmem>> -> memref<1x128xi32, #tpu.memory_space<vmem>>
      %dma_wait3A_216 = tpu.memref_squeeze %dma_wait3A_215 : memref<1x128xi32, #tpu.memory_space<vmem>> -> memref<128xi32, #tpu.memory_space<vmem>>
      %dma_wait3A_217 = arith.constant 0 : i32
      %dma_wait3A_218 = arith.constant 0 : i32
      %dma_wait3A_219 = tpu.memref_slice %arg2[%dma_wait3A_217, %dma_wait3A_218] : memref<10000x128xf32, #tpu.memory_space<hbm>> -> memref<10000x128xf32, #tpu.memory_space<hbm>>
      tpu.wait_indirect_dma semaphore(%arg15 : memref<!tpu.dma_semaphore, #tpu.memory_space<semaphore_mem>>) src(%dma_wait3A_219 : memref<10000x128xf32, #tpu.memory_space<hbm>>) dst(%arg11 : memref<128x128xf32, #tpu.memory_space<vmem>>)
      %run_scoped3A_220 = arith.constant 3 : i32
      "tpu.region"() ({
        %run_scoped3A_281 = tpu.sem_alloc : memref<!tpu.dma_semaphore, #tpu.memory_space<semaphore_mem>>
        %dma_start3A_282 = arith.constant 0 : i32
        %dma_start3A_283 = tpu.memref_slice %arg9[%run_scoped3A_220, %dma_start3A_282] : memref<8x128xi32, #tpu.memory_space<vmem>> -> memref<1x128xi32, #tpu.memory_space<vmem>>
        %dma_start3A_284 = tpu.memref_squeeze %dma_start3A_283 : memref<1x128xi32, #tpu.memory_space<vmem>> -> memref<128xi32, #tpu.memory_space<vmem>>
        %dma_start3A_285 = arith.constant 0 : i32
        %dma_start3A_286 = arith.constant 0 : i32
        %dma_start3A_287 = tpu.memref_slice %arg16[%dma_start3A_285, %dma_start3A_286] : memref<10112x128xf32, #tpu.memory_space<vmem_shared>> -> memref<10112x128xf32, #tpu.memory_space<vmem_shared>>
        tpu.enqueue_indirect_dma source(%arg11 : memref<128x128xf32, #tpu.memory_space<vmem>>) target(%dma_start3A_287 : memref<10112x128xf32, #tpu.memory_space<vmem_shared>>) offsets(%dma_start3A_284 : memref<128xi32, #tpu.memory_space<vmem>>) semaphore(%run_scoped3A_281 : memref<!tpu.dma_semaphore, #tpu.memory_space<semaphore_mem>>) {add = true}
        %dma_wait3A_288 = arith.constant 0 : i32
        %dma_wait3A_289 = tpu.memref_slice %arg9[%run_scoped3A_220, %dma_wait3A_288] : memref<8x128xi32, #tpu.memory_space<vmem>> -> memref<1x128xi32, #tpu.memory_space<vmem>>
        %dma_wait3A_290 = tpu.memref_squeeze %dma_wait3A_289 : memref<1x128xi32, #tpu.memory_space<vmem>> -> memref<128xi32, #tpu.memory_space<vmem>>
        %dma_wait3A_291 = arith.constant 0 : i32
        %dma_wait3A_292 = arith.constant 0 : i32
        %dma_wait3A_293 = tpu.memref_slice %arg16[%dma_wait3A_291, %dma_wait3A_292] : memref<10112x128xf32, #tpu.memory_space<vmem_shared>> -> memref<10112x128xf32, #tpu.memory_space<vmem_shared>>
        tpu.wait_indirect_dma semaphore(%run_scoped3A_281 : memref<!tpu.dma_semaphore, #tpu.memory_space<semaphore_mem>>) src(%arg11 : memref<128x128xf32, #tpu.memory_space<vmem>>) dst(%dma_wait3A_293 : memref<10112x128xf32, #tpu.memory_space<vmem_shared>>)
        tpu.yield
      }) : () -> ()
      %dma_start3A_221 = arith.constant 5 : i32
      %dma_start3A_222 = arith.constant 0 : i32
      %dma_start3A_223 = tpu.memref_slice %arg8[%dma_start3A_221, %dma_start3A_222] : memref<8x128xi32, #tpu.memory_space<vmem>> -> memref<1x128xi32, #tpu.memory_space<vmem>>
      %dma_start3A_224 = tpu.memref_squeeze %dma_start3A_223 : memref<1x128xi32, #tpu.memory_space<vmem>> -> memref<128xi32, #tpu.memory_space<vmem>>
      %dma_start3A_225 = arith.constant 0 : i32
      %dma_start3A_226 = arith.constant 0 : i32
      %dma_start3A_227 = tpu.memref_slice %arg2[%dma_start3A_225, %dma_start3A_226] : memref<10000x128xf32, #tpu.memory_space<hbm>> -> memref<10000x128xf32, #tpu.memory_space<hbm>>
      tpu.enqueue_indirect_dma source(%dma_start3A_227 : memref<10000x128xf32, #tpu.memory_space<hbm>>) target(%arg11 : memref<128x128xf32, #tpu.memory_space<vmem>>) offsets(%dma_start3A_224 : memref<128xi32, #tpu.memory_space<vmem>>) semaphore(%arg15 : memref<!tpu.dma_semaphore, #tpu.memory_space<semaphore_mem>>)
      %dma_wait3A_228 = arith.constant 4 : i32
      %dma_wait3A_229 = arith.constant 0 : i32
      %dma_wait3A_230 = tpu.memref_slice %arg8[%dma_wait3A_228, %dma_wait3A_229] : memref<8x128xi32, #tpu.memory_space<vmem>> -> memref<1x128xi32, #tpu.memory_space<vmem>>
      %dma_wait3A_231 = tpu.memref_squeeze %dma_wait3A_230 : memref<1x128xi32, #tpu.memory_space<vmem>> -> memref<128xi32, #tpu.memory_space<vmem>>
      %dma_wait3A_232 = arith.constant 0 : i32
      %dma_wait3A_233 = arith.constant 0 : i32
      %dma_wait3A_234 = tpu.memref_slice %arg2[%dma_wait3A_232, %dma_wait3A_233] : memref<10000x128xf32, #tpu.memory_space<hbm>> -> memref<10000x128xf32, #tpu.memory_space<hbm>>
      tpu.wait_indirect_dma semaphore(%arg14 : memref<!tpu.dma_semaphore, #tpu.memory_space<semaphore_mem>>) src(%dma_wait3A_234 : memref<10000x128xf32, #tpu.memory_space<hbm>>) dst(%arg10 : memref<128x128xf32, #tpu.memory_space<vmem>>)
      %run_scoped3A_235 = arith.constant 4 : i32
      "tpu.region"() ({
        %run_scoped3A_281 = tpu.sem_alloc : memref<!tpu.dma_semaphore, #tpu.memory_space<semaphore_mem>>
        %dma_start3A_282 = arith.constant 0 : i32
        %dma_start3A_283 = tpu.memref_slice %arg9[%run_scoped3A_235, %dma_start3A_282] : memref<8x128xi32, #tpu.memory_space<vmem>> -> memref<1x128xi32, #tpu.memory_space<vmem>>
        %dma_start3A_284 = tpu.memref_squeeze %dma_start3A_283 : memref<1x128xi32, #tpu.memory_space<vmem>> -> memref<128xi32, #tpu.memory_space<vmem>>
        %dma_start3A_285 = arith.constant 0 : i32
        %dma_start3A_286 = arith.constant 0 : i32
        %dma_start3A_287 = tpu.memref_slice %arg16[%dma_start3A_285, %dma_start3A_286] : memref<10112x128xf32, #tpu.memory_space<vmem_shared>> -> memref<10112x128xf32, #tpu.memory_space<vmem_shared>>
        tpu.enqueue_indirect_dma source(%arg10 : memref<128x128xf32, #tpu.memory_space<vmem>>) target(%dma_start3A_287 : memref<10112x128xf32, #tpu.memory_space<vmem_shared>>) offsets(%dma_start3A_284 : memref<128xi32, #tpu.memory_space<vmem>>) semaphore(%run_scoped3A_281 : memref<!tpu.dma_semaphore, #tpu.memory_space<semaphore_mem>>) {add = true}
        %dma_wait3A_288 = arith.constant 0 : i32
        %dma_wait3A_289 = tpu.memref_slice %arg9[%run_scoped3A_235, %dma_wait3A_288] : memref<8x128xi32, #tpu.memory_space<vmem>> -> memref<1x128xi32, #tpu.memory_space<vmem>>
        %dma_wait3A_290 = tpu.memref_squeeze %dma_wait3A_289 : memref<1x128xi32, #tpu.memory_space<vmem>> -> memref<128xi32, #tpu.memory_space<vmem>>
        %dma_wait3A_291 = arith.constant 0 : i32
        %dma_wait3A_292 = arith.constant 0 : i32
        %dma_wait3A_293 = tpu.memref_slice %arg16[%dma_wait3A_291, %dma_wait3A_292] : memref<10112x128xf32, #tpu.memory_space<vmem_shared>> -> memref<10112x128xf32, #tpu.memory_space<vmem_shared>>
        tpu.wait_indirect_dma semaphore(%run_scoped3A_281 : memref<!tpu.dma_semaphore, #tpu.memory_space<semaphore_mem>>) src(%arg10 : memref<128x128xf32, #tpu.memory_space<vmem>>) dst(%dma_wait3A_293 : memref<10112x128xf32, #tpu.memory_space<vmem_shared>>)
        tpu.yield
      }) : () -> ()
      %dma_start3A_236 = arith.constant 6 : i32
      %dma_start3A_237 = arith.constant 0 : i32
      %dma_start3A_238 = tpu.memref_slice %arg8[%dma_start3A_236, %dma_start3A_237] : memref<8x128xi32, #tpu.memory_space<vmem>> -> memref<1x128xi32, #tpu.memory_space<vmem>>
      %dma_start3A_239 = tpu.memref_squeeze %dma_start3A_238 : memref<1x128xi32, #tpu.memory_space<vmem>> -> memref<128xi32, #tpu.memory_space<vmem>>
      %dma_start3A_240 = arith.constant 0 : i32
      %dma_start3A_241 = arith.constant 0 : i32
      %dma_start3A_242 = tpu.memref_slice %arg2[%dma_start3A_240, %dma_start3A_241] : memref<10000x128xf32, #tpu.memory_space<hbm>> -> memref<10000x128xf32, #tpu.memory_space<hbm>>
      tpu.enqueue_indirect_dma source(%dma_start3A_242 : memref<10000x128xf32, #tpu.memory_space<hbm>>) target(%arg10 : memref<128x128xf32, #tpu.memory_space<vmem>>) offsets(%dma_start3A_239 : memref<128xi32, #tpu.memory_space<vmem>>) semaphore(%arg14 : memref<!tpu.dma_semaphore, #tpu.memory_space<semaphore_mem>>)
      %dma_wait3A_243 = arith.constant 5 : i32
      %dma_wait3A_244 = arith.constant 0 : i32
      %dma_wait3A_245 = tpu.memref_slice %arg8[%dma_wait3A_243, %dma_wait3A_244] : memref<8x128xi32, #tpu.memory_space<vmem>> -> memref<1x128xi32, #tpu.memory_space<vmem>>
      %dma_wait3A_246 = tpu.memref_squeeze %dma_wait3A_245 : memref<1x128xi32, #tpu.memory_space<vmem>> -> memref<128xi32, #tpu.memory_space<vmem>>
      %dma_wait3A_247 = arith.constant 0 : i32
      %dma_wait3A_248 = arith.constant 0 : i32
      %dma_wait3A_249 = tpu.memref_slice %arg2[%dma_wait3A_247, %dma_wait3A_248] : memref<10000x128xf32, #tpu.memory_space<hbm>> -> memref<10000x128xf32, #tpu.memory_space<hbm>>
      tpu.wait_indirect_dma semaphore(%arg15 : memref<!tpu.dma_semaphore, #tpu.memory_space<semaphore_mem>>) src(%dma_wait3A_249 : memref<10000x128xf32, #tpu.memory_space<hbm>>) dst(%arg11 : memref<128x128xf32, #tpu.memory_space<vmem>>)
      %run_scoped3A_250 = arith.constant 5 : i32
      "tpu.region"() ({
        %run_scoped3A_281 = tpu.sem_alloc : memref<!tpu.dma_semaphore, #tpu.memory_space<semaphore_mem>>
        %dma_start3A_282 = arith.constant 0 : i32
        %dma_start3A_283 = tpu.memref_slice %arg9[%run_scoped3A_250, %dma_start3A_282] : memref<8x128xi32, #tpu.memory_space<vmem>> -> memref<1x128xi32, #tpu.memory_space<vmem>>
        %dma_start3A_284 = tpu.memref_squeeze %dma_start3A_283 : memref<1x128xi32, #tpu.memory_space<vmem>> -> memref<128xi32, #tpu.memory_space<vmem>>
        %dma_start3A_285 = arith.constant 0 : i32
        %dma_start3A_286 = arith.constant 0 : i32
        %dma_start3A_287 = tpu.memref_slice %arg16[%dma_start3A_285, %dma_start3A_286] : memref<10112x128xf32, #tpu.memory_space<vmem_shared>> -> memref<10112x128xf32, #tpu.memory_space<vmem_shared>>
        tpu.enqueue_indirect_dma source(%arg11 : memref<128x128xf32, #tpu.memory_space<vmem>>) target(%dma_start3A_287 : memref<10112x128xf32, #tpu.memory_space<vmem_shared>>) offsets(%dma_start3A_284 : memref<128xi32, #tpu.memory_space<vmem>>) semaphore(%run_scoped3A_281 : memref<!tpu.dma_semaphore, #tpu.memory_space<semaphore_mem>>) {add = true}
        %dma_wait3A_288 = arith.constant 0 : i32
        %dma_wait3A_289 = tpu.memref_slice %arg9[%run_scoped3A_250, %dma_wait3A_288] : memref<8x128xi32, #tpu.memory_space<vmem>> -> memref<1x128xi32, #tpu.memory_space<vmem>>
        %dma_wait3A_290 = tpu.memref_squeeze %dma_wait3A_289 : memref<1x128xi32, #tpu.memory_space<vmem>> -> memref<128xi32, #tpu.memory_space<vmem>>
        %dma_wait3A_291 = arith.constant 0 : i32
        %dma_wait3A_292 = arith.constant 0 : i32
        %dma_wait3A_293 = tpu.memref_slice %arg16[%dma_wait3A_291, %dma_wait3A_292] : memref<10112x128xf32, #tpu.memory_space<vmem_shared>> -> memref<10112x128xf32, #tpu.memory_space<vmem_shared>>
        tpu.wait_indirect_dma semaphore(%run_scoped3A_281 : memref<!tpu.dma_semaphore, #tpu.memory_space<semaphore_mem>>) src(%arg11 : memref<128x128xf32, #tpu.memory_space<vmem>>) dst(%dma_wait3A_293 : memref<10112x128xf32, #tpu.memory_space<vmem_shared>>)
        tpu.yield
      }) : () -> ()
      %dma_start3A_251 = arith.constant 7 : i32
      %dma_start3A_252 = arith.constant 0 : i32
      %dma_start3A_253 = tpu.memref_slice %arg8[%dma_start3A_251, %dma_start3A_252] : memref<8x128xi32, #tpu.memory_space<vmem>> -> memref<1x128xi32, #tpu.memory_space<vmem>>
      %dma_start3A_254 = tpu.memref_squeeze %dma_start3A_253 : memref<1x128xi32, #tpu.memory_space<vmem>> -> memref<128xi32, #tpu.memory_space<vmem>>
      %dma_start3A_255 = arith.constant 0 : i32
      %dma_start3A_256 = arith.constant 0 : i32
      %dma_start3A_257 = tpu.memref_slice %arg2[%dma_start3A_255, %dma_start3A_256] : memref<10000x128xf32, #tpu.memory_space<hbm>> -> memref<10000x128xf32, #tpu.memory_space<hbm>>
      tpu.enqueue_indirect_dma source(%dma_start3A_257 : memref<10000x128xf32, #tpu.memory_space<hbm>>) target(%arg11 : memref<128x128xf32, #tpu.memory_space<vmem>>) offsets(%dma_start3A_254 : memref<128xi32, #tpu.memory_space<vmem>>) semaphore(%arg15 : memref<!tpu.dma_semaphore, #tpu.memory_space<semaphore_mem>>)
      %dma_wait3A_258 = arith.constant 6 : i32
      %dma_wait3A_259 = arith.constant 0 : i32
      %dma_wait3A_260 = tpu.memref_slice %arg8[%dma_wait3A_258, %dma_wait3A_259] : memref<8x128xi32, #tpu.memory_space<vmem>> -> memref<1x128xi32, #tpu.memory_space<vmem>>
      %dma_wait3A_261 = tpu.memref_squeeze %dma_wait3A_260 : memref<1x128xi32, #tpu.memory_space<vmem>> -> memref<128xi32, #tpu.memory_space<vmem>>
      %dma_wait3A_262 = arith.constant 0 : i32
      %dma_wait3A_263 = arith.constant 0 : i32
      %dma_wait3A_264 = tpu.memref_slice %arg2[%dma_wait3A_262, %dma_wait3A_263] : memref<10000x128xf32, #tpu.memory_space<hbm>> -> memref<10000x128xf32, #tpu.memory_space<hbm>>
      tpu.wait_indirect_dma semaphore(%arg14 : memref<!tpu.dma_semaphore, #tpu.memory_space<semaphore_mem>>) src(%dma_wait3A_264 : memref<10000x128xf32, #tpu.memory_space<hbm>>) dst(%arg10 : memref<128x128xf32, #tpu.memory_space<vmem>>)
      %run_scoped3A_265 = arith.constant 6 : i32
      "tpu.region"() ({
        %run_scoped3A_281 = tpu.sem_alloc : memref<!tpu.dma_semaphore, #tpu.memory_space<semaphore_mem>>
        %dma_start3A_282 = arith.constant 0 : i32
        %dma_start3A_283 = tpu.memref_slice %arg9[%run_scoped3A_265, %dma_start3A_282] : memref<8x128xi32, #tpu.memory_space<vmem>> -> memref<1x128xi32, #tpu.memory_space<vmem>>
        %dma_start3A_284 = tpu.memref_squeeze %dma_start3A_283 : memref<1x128xi32, #tpu.memory_space<vmem>> -> memref<128xi32, #tpu.memory_space<vmem>>
        %dma_start3A_285 = arith.constant 0 : i32
        %dma_start3A_286 = arith.constant 0 : i32
        %dma_start3A_287 = tpu.memref_slice %arg16[%dma_start3A_285, %dma_start3A_286] : memref<10112x128xf32, #tpu.memory_space<vmem_shared>> -> memref<10112x128xf32, #tpu.memory_space<vmem_shared>>
        tpu.enqueue_indirect_dma source(%arg10 : memref<128x128xf32, #tpu.memory_space<vmem>>) target(%dma_start3A_287 : memref<10112x128xf32, #tpu.memory_space<vmem_shared>>) offsets(%dma_start3A_284 : memref<128xi32, #tpu.memory_space<vmem>>) semaphore(%run_scoped3A_281 : memref<!tpu.dma_semaphore, #tpu.memory_space<semaphore_mem>>) {add = true}
        %dma_wait3A_288 = arith.constant 0 : i32
        %dma_wait3A_289 = tpu.memref_slice %arg9[%run_scoped3A_265, %dma_wait3A_288] : memref<8x128xi32, #tpu.memory_space<vmem>> -> memref<1x128xi32, #tpu.memory_space<vmem>>
        %dma_wait3A_290 = tpu.memref_squeeze %dma_wait3A_289 : memref<1x128xi32, #tpu.memory_space<vmem>> -> memref<128xi32, #tpu.memory_space<vmem>>
        %dma_wait3A_291 = arith.constant 0 : i32
        %dma_wait3A_292 = arith.constant 0 : i32
        %dma_wait3A_293 = tpu.memref_slice %arg16[%dma_wait3A_291, %dma_wait3A_292] : memref<10112x128xf32, #tpu.memory_space<vmem_shared>> -> memref<10112x128xf32, #tpu.memory_space<vmem_shared>>
        tpu.wait_indirect_dma semaphore(%run_scoped3A_281 : memref<!tpu.dma_semaphore, #tpu.memory_space<semaphore_mem>>) src(%arg10 : memref<128x128xf32, #tpu.memory_space<vmem>>) dst(%dma_wait3A_293 : memref<10112x128xf32, #tpu.memory_space<vmem_shared>>)
        tpu.yield
      }) : () -> ()
      %dma_wait3A_266 = arith.constant 7 : i32
      %dma_wait3A_267 = arith.constant 0 : i32
      %dma_wait3A_268 = tpu.memref_slice %arg8[%dma_wait3A_266, %dma_wait3A_267] : memref<8x128xi32, #tpu.memory_space<vmem>> -> memref<1x128xi32, #tpu.memory_space<vmem>>
      %dma_wait3A_269 = tpu.memref_squeeze %dma_wait3A_268 : memref<1x128xi32, #tpu.memory_space<vmem>> -> memref<128xi32, #tpu.memory_space<vmem>>
      %dma_wait3A_270 = arith.constant 0 : i32
      %dma_wait3A_271 = arith.constant 0 : i32
      %dma_wait3A_272 = tpu.memref_slice %arg2[%dma_wait3A_270, %dma_wait3A_271] : memref<10000x128xf32, #tpu.memory_space<hbm>> -> memref<10000x128xf32, #tpu.memory_space<hbm>>
      tpu.wait_indirect_dma semaphore(%arg15 : memref<!tpu.dma_semaphore, #tpu.memory_space<semaphore_mem>>) src(%dma_wait3A_272 : memref<10000x128xf32, #tpu.memory_space<hbm>>) dst(%arg11 : memref<128x128xf32, #tpu.memory_space<vmem>>)
      %run_scoped3A_273 = arith.constant 7 : i32
      "tpu.region"() ({
        %run_scoped3A_281 = tpu.sem_alloc : memref<!tpu.dma_semaphore, #tpu.memory_space<semaphore_mem>>
        %dma_start3A_282 = arith.constant 0 : i32
        %dma_start3A_283 = tpu.memref_slice %arg9[%run_scoped3A_273, %dma_start3A_282] : memref<8x128xi32, #tpu.memory_space<vmem>> -> memref<1x128xi32, #tpu.memory_space<vmem>>
        %dma_start3A_284 = tpu.memref_squeeze %dma_start3A_283 : memref<1x128xi32, #tpu.memory_space<vmem>> -> memref<128xi32, #tpu.memory_space<vmem>>
        %dma_start3A_285 = arith.constant 0 : i32
        %dma_start3A_286 = arith.constant 0 : i32
        %dma_start3A_287 = tpu.memref_slice %arg16[%dma_start3A_285, %dma_start3A_286] : memref<10112x128xf32, #tpu.memory_space<vmem_shared>> -> memref<10112x128xf32, #tpu.memory_space<vmem_shared>>
        tpu.enqueue_indirect_dma source(%arg11 : memref<128x128xf32, #tpu.memory_space<vmem>>) target(%dma_start3A_287 : memref<10112x128xf32, #tpu.memory_space<vmem_shared>>) offsets(%dma_start3A_284 : memref<128xi32, #tpu.memory_space<vmem>>) semaphore(%run_scoped3A_281 : memref<!tpu.dma_semaphore, #tpu.memory_space<semaphore_mem>>) {add = true}
        %dma_wait3A_288 = arith.constant 0 : i32
        %dma_wait3A_289 = tpu.memref_slice %arg9[%run_scoped3A_273, %dma_wait3A_288] : memref<8x128xi32, #tpu.memory_space<vmem>> -> memref<1x128xi32, #tpu.memory_space<vmem>>
        %dma_wait3A_290 = tpu.memref_squeeze %dma_wait3A_289 : memref<1x128xi32, #tpu.memory_space<vmem>> -> memref<128xi32, #tpu.memory_space<vmem>>
        %dma_wait3A_291 = arith.constant 0 : i32
        %dma_wait3A_292 = arith.constant 0 : i32
        %dma_wait3A_293 = tpu.memref_slice %arg16[%dma_wait3A_291, %dma_wait3A_292] : memref<10112x128xf32, #tpu.memory_space<vmem_shared>> -> memref<10112x128xf32, #tpu.memory_space<vmem_shared>>
        tpu.wait_indirect_dma semaphore(%run_scoped3A_281 : memref<!tpu.dma_semaphore, #tpu.memory_space<semaphore_mem>>) src(%arg11 : memref<128x128xf32, #tpu.memory_space<vmem>>) dst(%dma_wait3A_293 : memref<10112x128xf32, #tpu.memory_space<vmem_shared>>)
        tpu.yield
      }) : () -> ()
      %add3A_274 = arith.constant 1 : i32
      %add3A_275 = arith.addi %scan3A_114, %add3A_274 : i32
      %lt3A = arith.constant 5 : i32
      %lt3A_276 = arith.cmpi slt, %add3A_275, %lt3A : i32
      %convert_element_type3A_277 = arith.extui %lt3A_276 : i1 to i32
      %cond3A_278 = arith.constant 0 : i32
      %cond3A_279 = arith.cmpi ne, %convert_element_type3A_277, %cond3A_278 : i32
      scf.if %cond3A_279 {
        %add3A_281 = arith.constant 2 : i32
        %add3A_282 = arith.addi %add3A_119, %add3A_281 : i32
        %dma_start3A_283 = arith.constant 0 : i32
        %dma_start3A_284 = arith.constant 0 : i32
        %dma_start3A_285 = arith.constant 0 : i32
        %dma_start3A_286 = tpu.memref_slice %arg3[%add3A, %dma_start3A_283, %dma_start3A_284, %dma_start3A_285] : memref<32x10x8x128xi32, #tpu.memory_space<hbm>> -> memref<1x10x8x128xi32, #tpu.memory_space<hbm>>
        %dma_start3A_287 = tpu.memref_squeeze %dma_start3A_286 : memref<1x10x8x128xi32, #tpu.memory_space<hbm>> -> memref<10x8x128xi32, #tpu.memory_space<hbm>>
        %dma_start3A_288 = arith.constant 0 : i32
        %dma_start3A_289 = arith.constant 0 : i32
        %dma_start3A_290 = tpu.memref_slice %dma_start3A_287[%add3A_282, %dma_start3A_288, %dma_start3A_289] : memref<10x8x128xi32, #tpu.memory_space<hbm>> -> memref<1x8x128xi32, #tpu.memory_space<hbm>>
        %dma_start3A_291 = tpu.memref_squeeze %dma_start3A_290 : memref<1x8x128xi32, #tpu.memory_space<hbm>> -> memref<8x128xi32, #tpu.memory_space<hbm>>
        %dma_start3A_292 = arith.constant 0 : i32
        %dma_start3A_293 = arith.constant 0 : i32
        %dma_start3A_294 = arith.constant 0 : i32
        %dma_start3A_295 = tpu.memref_slice %arg3[%add3A, %dma_start3A_292, %dma_start3A_293, %dma_start3A_294] : memref<32x10x8x128xi32, #tpu.memory_space<hbm>> -> memref<1x10x8x128xi32, #tpu.memory_space<hbm>>
        %dma_start3A_296 = tpu.memref_squeeze %dma_start3A_295 : memref<1x10x8x128xi32, #tpu.memory_space<hbm>> -> memref<10x8x128xi32, #tpu.memory_space<hbm>>
        %dma_start3A_297 = arith.constant 0 : i32
        %dma_start3A_298 = arith.constant 0 : i32
        %dma_start3A_299 = tpu.memref_slice %dma_start3A_296[%add3A_282, %dma_start3A_297, %dma_start3A_298] : memref<10x8x128xi32, #tpu.memory_space<hbm>> -> memref<1x8x128xi32, #tpu.memory_space<hbm>>
        %dma_start3A_300 = tpu.memref_squeeze %dma_start3A_299 : memref<1x8x128xi32, #tpu.memory_space<hbm>> -> memref<8x128xi32, #tpu.memory_space<hbm>>
        tpu.enqueue_dma source(%dma_start3A_300 : memref<8x128xi32, #tpu.memory_space<hbm>>) target(%arg8 : memref<8x128xi32, #tpu.memory_space<vmem>>) target_semaphore(%arg13 : memref<!tpu.dma_semaphore, #tpu.memory_space<semaphore_mem>>)
        %dma_start3A_301 = arith.constant 0 : i32
        %dma_start3A_302 = arith.constant 0 : i32
        %dma_start3A_303 = arith.constant 0 : i32
        %dma_start3A_304 = tpu.memref_slice %arg4[%add3A, %dma_start3A_301, %dma_start3A_302, %dma_start3A_303] : memref<32x10x8x128xi32, #tpu.memory_space<hbm>> -> memref<1x10x8x128xi32, #tpu.memory_space<hbm>>
        %dma_start3A_305 = tpu.memref_squeeze %dma_start3A_304 : memref<1x10x8x128xi32, #tpu.memory_space<hbm>> -> memref<10x8x128xi32, #tpu.memory_space<hbm>>
        %dma_start3A_306 = arith.constant 0 : i32
        %dma_start3A_307 = arith.constant 0 : i32
        %dma_start3A_308 = tpu.memref_slice %dma_start3A_305[%add3A_282, %dma_start3A_306, %dma_start3A_307] : memref<10x8x128xi32, #tpu.memory_space<hbm>> -> memref<1x8x128xi32, #tpu.memory_space<hbm>>
        %dma_start3A_309 = tpu.memref_squeeze %dma_start3A_308 : memref<1x8x128xi32, #tpu.memory_space<hbm>> -> memref<8x128xi32, #tpu.memory_space<hbm>>
        %dma_start3A_310 = arith.constant 0 : i32
        %dma_start3A_311 = arith.constant 0 : i32
        %dma_start3A_312 = arith.constant 0 : i32
        %dma_start3A_313 = tpu.memref_slice %arg4[%add3A, %dma_start3A_310, %dma_start3A_311, %dma_start3A_312] : memref<32x10x8x128xi32, #tpu.memory_space<hbm>> -> memref<1x10x8x128xi32, #tpu.memory_space<hbm>>
        %dma_start3A_314 = tpu.memref_squeeze %dma_start3A_313 : memref<1x10x8x128xi32, #tpu.memory_space<hbm>> -> memref<10x8x128xi32, #tpu.memory_space<hbm>>
        %dma_start3A_315 = arith.constant 0 : i32
        %dma_start3A_316 = arith.constant 0 : i32
        %dma_start3A_317 = tpu.memref_slice %dma_start3A_314[%add3A_282, %dma_start3A_315, %dma_start3A_316] : memref<10x8x128xi32, #tpu.memory_space<hbm>> -> memref<1x8x128xi32, #tpu.memory_space<hbm>>
        %dma_start3A_318 = tpu.memref_squeeze %dma_start3A_317 : memref<1x8x128xi32, #tpu.memory_space<hbm>> -> memref<8x128xi32, #tpu.memory_space<hbm>>
        tpu.enqueue_dma source(%dma_start3A_318 : memref<8x128xi32, #tpu.memory_space<hbm>>) target(%arg9 : memref<8x128xi32, #tpu.memory_space<vmem>>) target_semaphore(%arg13 : memref<!tpu.dma_semaphore, #tpu.memory_space<semaphore_mem>>)
      } else {
      }
      %scan3A_280 = arith.constant 0 : i32
      scf.yield %scan3A_280 : i32
    }
    %scan3A_108 = arith.constant 5 : i32
    %barrier3A_109 = arith.constant 0 : index
    tpu.barrier barrier_id(%barrier3A_109)
    %mul3A_110 = arith.constant 624 : i32
    %mul3A_111 = arith.muli %arg1, %mul3A_110 : i32
    "tpu.region"() ({
      %run_scoped3A = tpu.sem_alloc : memref<!tpu.dma_semaphore, #tpu.memory_space<semaphore_mem>>
      %dma_start3A_114 = arith.constant 0 : i32
      %dma_start3A_115 = arith.constant 0 : i32
      %dma_start3A_116 = tpu.memref_slice %arg5[%arg0, %dma_start3A_114, %dma_start3A_115] : memref<2x10000x128xf32, #tpu.memory_space<hbm>> -> memref<1x10000x128xf32, #tpu.memory_space<hbm>>
      %dma_start3A_117 = tpu.memref_squeeze %dma_start3A_116 : memref<1x10000x128xf32, #tpu.memory_space<hbm>> -> memref<10000x128xf32, #tpu.memory_space<hbm>>
      %dma_start3A_118 = arith.constant 0 : i32
      %dma_start3A_119 = tpu.memref_slice %dma_start3A_117[%mul3A_111, %dma_start3A_118] : memref<10000x128xf32, #tpu.memory_space<hbm>> -> memref<624x128xf32, #tpu.memory_space<hbm>>
      %dma_start3A_120 = arith.constant 0 : i32
      %dma_start3A_121 = tpu.memref_slice %arg16[%mul3A_111, %dma_start3A_120] : memref<10112x128xf32, #tpu.memory_space<vmem_shared>> -> memref<624x128xf32, #tpu.memory_space<vmem_shared>>
      tpu.enqueue_dma source(%dma_start3A_121 : memref<624x128xf32, #tpu.memory_space<vmem_shared>>) target(%dma_start3A_119 : memref<624x128xf32, #tpu.memory_space<hbm>>) target_semaphore(%run_scoped3A : memref<!tpu.dma_semaphore, #tpu.memory_space<semaphore_mem>>)
      %dma_wait3A = arith.constant 0 : i32
      %dma_wait3A_122 = arith.constant 0 : i32
      %dma_wait3A_123 = tpu.memref_slice %arg5[%arg0, %dma_wait3A, %dma_wait3A_122] : memref<2x10000x128xf32, #tpu.memory_space<hbm>> -> memref<1x10000x128xf32, #tpu.memory_space<hbm>>
      %dma_wait3A_124 = tpu.memref_squeeze %dma_wait3A_123 : memref<1x10000x128xf32, #tpu.memory_space<hbm>> -> memref<10000x128xf32, #tpu.memory_space<hbm>>
      %dma_wait3A_125 = arith.constant 0 : i32
      %dma_wait3A_126 = tpu.memref_slice %dma_wait3A_124[%mul3A_111, %dma_wait3A_125] : memref<10000x128xf32, #tpu.memory_space<hbm>> -> memref<624x128xf32, #tpu.memory_space<hbm>>
      %dma_wait3A_127 = arith.constant 0 : i32
      %dma_wait3A_128 = tpu.memref_slice %arg16[%mul3A_111, %dma_wait3A_127] : memref<10112x128xf32, #tpu.memory_space<vmem_shared>> -> memref<624x128xf32, #tpu.memory_space<vmem_shared>>
      tpu.wait_dma2 semaphore(%run_scoped3A : memref<!tpu.dma_semaphore, #tpu.memory_space<semaphore_mem>>) src(%dma_wait3A_128 : memref<624x128xf32, #tpu.memory_space<vmem_shared>>) dst(%dma_wait3A_126 : memref<624x128xf32, #tpu.memory_space<hbm>>)
      tpu.yield
    }) : () -> ()
    %eq3A = arith.constant 15 : i32
    %eq3A_112 = arith.cmpi eq, %arg1, %eq3A : i32
    %convert_element_type3A = arith.extui %eq3A_112 : i1 to i32
    %cond3A = arith.constant 0 : i32
    %cond3A_113 = arith.cmpi ne, %convert_element_type3A, %cond3A : i32
    scf.if %cond3A_113 {
      "tpu.region"() ({
        %run_scoped3A = tpu.sem_alloc : memref<!tpu.dma_semaphore, #tpu.memory_space<semaphore_mem>>
        %dma_start3A_114 = arith.constant 0 : i32
        %dma_start3A_115 = arith.constant 0 : i32
        %dma_start3A_116 = tpu.memref_slice %arg5[%arg0, %dma_start3A_114, %dma_start3A_115] : memref<2x10000x128xf32, #tpu.memory_space<hbm>> -> memref<1x10000x128xf32, #tpu.memory_space<hbm>>
        %dma_start3A_117 = tpu.memref_squeeze %dma_start3A_116 : memref<1x10000x128xf32, #tpu.memory_space<hbm>> -> memref<10000x128xf32, #tpu.memory_space<hbm>>
        %dma_start3A_118 = arith.constant 9984 : i32
        %dma_start3A_119 = arith.constant 0 : i32
        %dma_start3A_120 = tpu.memref_slice %dma_start3A_117[%dma_start3A_118, %dma_start3A_119] : memref<10000x128xf32, #tpu.memory_space<hbm>> -> memref<16x128xf32, #tpu.memory_space<hbm>>
        %dma_start3A_121 = arith.constant 9984 : i32
        %dma_start3A_122 = arith.constant 0 : i32
        %dma_start3A_123 = tpu.memref_slice %arg16[%dma_start3A_121, %dma_start3A_122] : memref<10112x128xf32, #tpu.memory_space<vmem_shared>> -> memref<16x128xf32, #tpu.memory_space<vmem_shared>>
        tpu.enqueue_dma source(%dma_start3A_123 : memref<16x128xf32, #tpu.memory_space<vmem_shared>>) target(%dma_start3A_120 : memref<16x128xf32, #tpu.memory_space<hbm>>) target_semaphore(%run_scoped3A : memref<!tpu.dma_semaphore, #tpu.memory_space<semaphore_mem>>)
        %dma_wait3A = arith.constant 0 : i32
        %dma_wait3A_124 = arith.constant 0 : i32
        %dma_wait3A_125 = tpu.memref_slice %arg5[%arg0, %dma_wait3A, %dma_wait3A_124] : memref<2x10000x128xf32, #tpu.memory_space<hbm>> -> memref<1x10000x128xf32, #tpu.memory_space<hbm>>
        %dma_wait3A_126 = tpu.memref_squeeze %dma_wait3A_125 : memref<1x10000x128xf32, #tpu.memory_space<hbm>> -> memref<10000x128xf32, #tpu.memory_space<hbm>>
        %dma_wait3A_127 = arith.constant 9984 : i32
        %dma_wait3A_128 = arith.constant 0 : i32
        %dma_wait3A_129 = tpu.memref_slice %dma_wait3A_126[%dma_wait3A_127, %dma_wait3A_128] : memref<10000x128xf32, #tpu.memory_space<hbm>> -> memref<16x128xf32, #tpu.memory_space<hbm>>
        %dma_wait3A_130 = arith.constant 9984 : i32
        %dma_wait3A_131 = arith.constant 0 : i32
        %dma_wait3A_132 = tpu.memref_slice %arg16[%dma_wait3A_130, %dma_wait3A_131] : memref<10112x128xf32, #tpu.memory_space<vmem_shared>> -> memref<16x128xf32, #tpu.memory_space<vmem_shared>>
        tpu.wait_dma2 semaphore(%run_scoped3A : memref<!tpu.dma_semaphore, #tpu.memory_space<semaphore_mem>>) src(%dma_wait3A_132 : memref<16x128xf32, #tpu.memory_space<vmem_shared>>) dst(%dma_wait3A_129 : memref<16x128xf32, #tpu.memory_space<hbm>>)
        tpu.yield
      }) : () -> ()
    } else {
    }
    return
  }
}

module attributes {stable_mosaic.version = 14 : i64} {
  func.func @_layer_body(%arg0: i32, %arg1: memref<10000x128xf32, #tpu.memory_space<vmem>>, %arg2: memref<2x10000x128xf32, #tpu.memory_space<vmem>>, %arg3: memref<10000x1xf32, #tpu.memory_space<vmem>>, %arg4: memref<256x128xf32, #tpu.memory_space<vmem>>, %arg5: memref<1x128xf32, #tpu.memory_space<vmem>>, %arg6: memref<10000x128xf32, #tpu.memory_space<vmem>>) attributes {dimension_semantics = [#tpu.dimension_semantics<arbitrary>], iteration_bounds = array<i64: 1>, scalar_prefetch = 0 : i64, scratch_operands = 0 : i64, tpu.core_type = #tpu.core_type<tc>, window_params = [{transform_indices = @transform_0, window_bounds = array<i64: 10000, 128>}, {transform_indices = @transform_1, window_bounds = array<i64: 2, 10000, 128>}, {transform_indices = @transform_2, window_bounds = array<i64: 10000, 1>}, {pipeline_mode = #tpu.pipeline_mode<synchronous>, transform_indices = @transform_3, window_bounds = array<i64: 256, 128>}, {pipeline_mode = #tpu.pipeline_mode<synchronous>, transform_indices = @transform_4, window_bounds = array<i64: 1, 128>}, {transform_indices = @transform_5, window_bounds = array<i64: 10000, 128>}]} {
    %get3A = arith.constant 0 : index
    %get3A_0 = arith.constant 0 : index
    %get3A_1 = vector.load %arg1[%get3A, %get3A_0] : memref<10000x128xf32, #tpu.memory_space<vmem>>, vector<10000x128xf32>
    %get3A_2 = arith.constant 0 : index
    %get3A_3 = arith.constant 0 : index
    %get3A_4 = arith.constant 0 : index
    %get3A_5 = vector.load %arg2[%get3A_2, %get3A_3, %get3A_4] : memref<2x10000x128xf32, #tpu.memory_space<vmem>>, vector<1x10000x128xf32>
    %get3A_6 = vector.shape_cast %get3A_5 : vector<1x10000x128xf32> to vector<10000x128xf32>
    %get3A_7 = arith.constant 1 : index
    %get3A_8 = arith.constant 0 : index
    %get3A_9 = arith.constant 0 : index
    %get3A_10 = vector.load %arg2[%get3A_7, %get3A_8, %get3A_9] : memref<2x10000x128xf32, #tpu.memory_space<vmem>>, vector<1x10000x128xf32>
    %get3A_11 = vector.shape_cast %get3A_10 : vector<1x10000x128xf32> to vector<10000x128xf32>
    %add3A = arith.addf %get3A_6, %get3A_11 : vector<10000x128xf32>
    %sub3A = arith.subf %add3A, %get3A_1 : vector<10000x128xf32>
    %get3A_12 = arith.constant 0 : index
    %get3A_13 = arith.constant 0 : index
    %get3A_14 = vector.load %arg3[%get3A_12, %get3A_13] : memref<10000x1xf32, #tpu.memory_space<vmem>>, vector<10000x1xf32>
    %mul3A = vector.broadcast %get3A_14 : vector<10000x1xf32> to vector<10000x128xf32>
    %mul3A_15 = arith.mulf %sub3A, %mul3A : vector<10000x128xf32>
    %get3A_16 = arith.constant 0 : index
    %get3A_17 = arith.constant 0 : index
    %get3A_18 = vector.load %arg4[%get3A_16, %get3A_17] : memref<256x128xf32, #tpu.memory_space<vmem>>, vector<128x128xf32>
    %dot_general3A = arith.constant dense<0.000000e+00> : vector<10000x128xf32>
    %dot_general3A_19 = tpu.matmul %get3A_1, %get3A_18, %dot_general3A {dimension_numbers = #tpu.dot_dimension_numbers<[1], [0], [0], [1], [0, 0, 1, 1], [], []>, transpose_lhs_hint = false} : vector<10000x128xf32>, vector<128x128xf32>, vector<10000x128xf32> -> vector<10000x128xf32>
    %get3A_20 = arith.constant 128 : index
    %get3A_21 = arith.constant 0 : index
    %get3A_22 = vector.load %arg4[%get3A_20, %get3A_21] : memref<256x128xf32, #tpu.memory_space<vmem>>, vector<128x128xf32>
    %dot_general3A_23 = arith.constant dense<0.000000e+00> : vector<10000x128xf32>
    %dot_general3A_24 = tpu.matmul %mul3A_15, %get3A_22, %dot_general3A_23 {dimension_numbers = #tpu.dot_dimension_numbers<[1], [0], [0], [1], [0, 0, 1, 1], [], []>, transpose_lhs_hint = false} : vector<10000x128xf32>, vector<128x128xf32>, vector<10000x128xf32> -> vector<10000x128xf32>
    %add3A_25 = arith.addf %dot_general3A_19, %dot_general3A_24 : vector<10000x128xf32>
    %get3A_26 = arith.constant 0 : index
    %get3A_27 = arith.constant 0 : index
    %get3A_28 = vector.load %arg5[%get3A_26, %get3A_27] : memref<1x128xf32, #tpu.memory_space<vmem>>, vector<1x128xf32>
    %add3A_29 = vector.broadcast %get3A_28 : vector<1x128xf32> to vector<10000x128xf32>
    %add3A_30 = arith.addf %add3A_25, %add3A_29 : vector<10000x128xf32>
    %max3A = arith.constant 0.000000e+00 : f32
    %max3A_31 = vector.broadcast %max3A : f32 to vector<10000x128xf32>
    %max3A_32 = arith.maximumf %add3A_30, %max3A_31 : vector<10000x128xf32>
    %swap3A = arith.constant 0 : index
    %swap3A_33 = arith.constant 0 : index
    %swap3A_34 = vector.load %arg6[%swap3A, %swap3A_33] : memref<10000x128xf32, #tpu.memory_space<vmem>>, vector<10000x128xf32>
    tpu.vector_store %arg6[%swap3A, %swap3A_33], %max3A_32 {strides = array<i32>} : memref<10000x128xf32, #tpu.memory_space<vmem>>, vector<10000x128xf32>,
    return
  }
  func.func @transform_0(%arg0: i32) -> (i32, i32) {
    %c0_i32 = arith.constant 0 : i32
    %c0_i32_0 = arith.constant 0 : i32
    return %arg0, %c0_i32 : i32, i32
  }
  func.func @transform_1(%arg0: i32) -> (i32, i32, i32) {
    %c0_i32 = arith.constant 0 : i32
    %c0_i32_0 = arith.constant 0 : i32
    %c0_i32_1 = arith.constant 0 : i32
    return %c0_i32, %arg0, %c0_i32_0 : i32, i32, i32
  }
  func.func @transform_2(%arg0: i32) -> (i32, i32) {
    %c0_i32 = arith.constant 0 : i32
    %c0_i32_0 = arith.constant 0 : i32
    return %arg0, %c0_i32 : i32, i32
  }
  func.func @transform_3(%arg0: i32) -> (i32, i32) {
    %c0_i32 = arith.constant 0 : i32
    %c0_i32_0 = arith.constant 0 : i32
    %c0_i32_1 = arith.constant 0 : i32
    return %c0_i32, %c0_i32_0 : i32, i32
  }
  func.func @transform_4(%arg0: i32) -> (i32, i32) {
    %c0_i32 = arith.constant 0 : i32
    %c0_i32_0 = arith.constant 0 : i32
    %c0_i32_1 = arith.constant 0 : i32
    return %c0_i32, %c0_i32_0 : i32, i32
  }
  func.func @transform_5(%arg0: i32) -> (i32, i32) {
    %c0_i32 = arith.constant 0 : i32
    %c0_i32_0 = arith.constant 0 : i32
    return %arg0, %c0_i32 : i32, i32
  }
}

module attributes {stable_mosaic.version = 14 : i64} {
  func.func @_final_body(%arg0: i32, %arg1: memref<10000x128xf32, #tpu.memory_space<vmem>>, %arg2: memref<128x64xf32, #tpu.memory_space<vmem>>, %arg3: memref<1x64xf32, #tpu.memory_space<vmem>>, %arg4: memref<10000x64xf32, #tpu.memory_space<vmem>>) attributes {dimension_semantics = [#tpu.dimension_semantics<arbitrary>], iteration_bounds = array<i64: 1>, scalar_prefetch = 0 : i64, scratch_operands = 0 : i64, tpu.core_type = #tpu.core_type<tc>, window_params = [{transform_indices = @transform_0, window_bounds = array<i64: 10000, 128>}, {pipeline_mode = #tpu.pipeline_mode<synchronous>, transform_indices = @transform_1, window_bounds = array<i64: 128, 64>}, {pipeline_mode = #tpu.pipeline_mode<synchronous>, transform_indices = @transform_2, window_bounds = array<i64: 1, 64>}, {transform_indices = @transform_3, window_bounds = array<i64: 10000, 64>}]} {
    %get3A = arith.constant 0 : index
    %get3A_0 = arith.constant 0 : index
    %get3A_1 = vector.load %arg1[%get3A, %get3A_0] : memref<10000x128xf32, #tpu.memory_space<vmem>>, vector<10000x128xf32>
    %get3A_2 = arith.constant 0 : index
    %get3A_3 = arith.constant 0 : index
    %get3A_4 = vector.load %arg2[%get3A_2, %get3A_3] : memref<128x64xf32, #tpu.memory_space<vmem>>, vector<128x64xf32>
    %dot_general3A = arith.constant dense<0.000000e+00> : vector<10000x64xf32>
    %dot_general3A_5 = tpu.matmul %get3A_1, %get3A_4, %dot_general3A {dimension_numbers = #tpu.dot_dimension_numbers<[1], [0], [0], [1], [0, 0, 1, 1], [], []>, transpose_lhs_hint = false} : vector<10000x128xf32>, vector<128x64xf32>, vector<10000x64xf32> -> vector<10000x64xf32>
    %get3A_6 = arith.constant 0 : index
    %get3A_7 = arith.constant 0 : index
    %get3A_8 = vector.load %arg3[%get3A_6, %get3A_7] : memref<1x64xf32, #tpu.memory_space<vmem>>, vector<1x64xf32>
    %add3A = vector.broadcast %get3A_8 : vector<1x64xf32> to vector<10000x64xf32>
    %add3A_9 = arith.addf %dot_general3A_5, %add3A : vector<10000x64xf32>
    %swap3A = arith.constant 0 : index
    %swap3A_10 = arith.constant 0 : index
    %swap3A_11 = vector.load %arg4[%swap3A, %swap3A_10] : memref<10000x64xf32, #tpu.memory_space<vmem>>, vector<10000x64xf32>
    tpu.vector_store %arg4[%swap3A, %swap3A_10], %add3A_9 {strides = array<i32>} : memref<10000x64xf32, #tpu.memory_space<vmem>>, vector<10000x64xf32>,
    return
  }
  func.func @transform_0(%arg0: i32) -> (i32, i32) {
    %c0_i32 = arith.constant 0 : i32
    %c0_i32_0 = arith.constant 0 : i32
    return %arg0, %c0_i32 : i32, i32
  }
  func.func @transform_1(%arg0: i32) -> (i32, i32) {
    %c0_i32 = arith.constant 0 : i32
    %c0_i32_0 = arith.constant 0 : i32
    %c0_i32_1 = arith.constant 0 : i32
    return %c0_i32, %c0_i32_0 : i32, i32
  }
  func.func @transform_2(%arg0: i32) -> (i32, i32) {
    %c0_i32 = arith.constant 0 : i32
    %c0_i32_0 = arith.constant 0 : i32
    %c0_i32_1 = arith.constant 0 : i32
    return %c0_i32, %c0_i32_0 : i32, i32
  }
  func.func @transform_3(%arg0: i32) -> (i32, i32) {
    %c0_i32 = arith.constant 0 : i32
    %c0_i32_0 = arith.constant 0 : i32
    return %arg0, %c0_i32 : i32, i32
  }
}

</mosaic_0001>

<sc_bundles>
// kernel: closed_call.9.cloned.1.call-start
scs
__scs_entry_jumppad:
0x0: {  	(pc) =	sbr.rel $0x88, $3  }
0x1: {  	(tag) =	ssettag $0x0;
	lr =	simm.s32 $0x1  }
0x2: {  	[smem:$0x3F98] =	sst lr;
	_ =	strace $0xD0000000  }
0x3: {  	_ = 	snop  }
0x4: {  	_ = 	snop  }
0x5: {  	_ = 	snop  }
0x6: {  	_ = 	snop  }
0x7: {  	_ = 	snop  }
__scs_overlays_trampoline_lowered:
0x8: {  	[smem:$0x3FA7] =	sst s0  }
0x9: {  	[smem:$0x3FA8] =	sst s1  }
0xa: {  	[smem:$0x3FA9] =	sst s2  }
0xb: {  	[smem:$0x3FAA] =	sst s3  }
0xc: {  	[smem:$0x3FAB] =	sst s4  }
0xd: {  	[smem:$0x3FAC] =	sst s5  }
0xe: {  	[smem:$0x3FAD] =	sst s6  }
0xf: {  	[smem:$0x3FAE] =	sst s7  }
0x10: {  	[smem:$0x3FAF] =	sst s8  }
0x11: {  	[smem:$0x3FB0] =	sst s9;
	s0 =	simm.s32 @!p0 $0x0  }
0x12: {  	s1 =	sld [smem:$0x3F96];
	s0 =	simm.s32 @p0 $0x1  }
0x13: {  	[smem:$0x3FB1] =	sst s0;
	s0 =	simm.s32 @!p1 $0x0  }
0x14: {  	s2 =	sld [smem:$0x3F95];
	s0 =	simm.s32 @p1 $0x1  }
0x15: {  	[smem:$0x3FB2] =	sst s0;
	s0 =	simm.s32 @!p2 $0x0  }
0x16: {  	s3 =	sld [smem:$0x3FDB];
	s0 =	simm.s32 @p2 $0x1  }
0x17: {  	s4 =	simm.s32 $0x1BF5;
	[smem:$0x3FB4] =	sst s0  }
0x18: {  	s0 =	sld [smem:$0x3F97];
	_ =	swait.ge [sflag:s4], $0x0  }
0x19: {  	s7 =	sld [smem:$0x3F98]  }
0x1a: {  	s8 =	sadd.s32 $0xFFFFE003, lr  }
0x1b: {  	s9 =	sadd.s32 $0xFFFFFEF7, lr;
	s5 =	simm.s32 $0xFFFFFFFF;
	p2 =	slt.u32 s8, $0xFFFFF086  }
0x1c: {  	p1 =	slt.u32 s9, $0xF7A;
	s5 =	simm.s32 @!p2 $0x0  }
0x1d: {  	s5 =	simm.s32 @p1 $0x1;
	p0 =	seq.s32 s7, s2  }
0x1e: {  	s7 =	smul.u32 @!p0 $0xF7A, s2;
	p2 =	seq.s32 @!p0 s5, $0x0  }
0x1f: {  	s9 =	smul.u32 $0xF7A, s1;
	s8 =	simm.s32 @!p0 $0x1BF5;
	p2 =	por !p2, p0  }
0x20: {  	[sflag:s8] =	ssyncset.s32 @!p0 $0xFFFFF086;
	s6 =	sadd.s32 @!p0 s3, s7;
	s7 =	simm.s32 @!p0 $0x108  }
0x21: {  	s3 =	sadd.s32 s3, s9;
	s6 =	sadd.s32 @!p0 $0x88, s6;
	s7 =	simm.s32 @p2 $0x1082  }
0x22: {  	[simem:s7], [sflag:s8] =	dma.local @!p0 [hbm:s6], $0xF7A  }
0x23: {  	s9 =	sor.u32 $0xD0000000, s2;
	s6 =	simm.s32 $0x108;
	_ =	swait.ge @!p0 [sflag:s8], $0x0  }
0x24: {  	s3 =	sadd.s32 $0x88, s3;
	s6 =	simm.s32 @!p1 $0x1082;
	[sflag:s4] =	ssyncset.s32 $0xFFFFF086  }
0x25: {  	[simem:s6], [sflag:s4] =	dma.local [hbm:s3], $0xF7A  }
0x26: {  	[smem:$0x3F98] =	sst s1;
	(tag) =	ssettag s2;
	_ =	strace s9  }
0x27: {  	s1 =	sld [smem:$0x3FA8]  }
0x28: {  	s2 =	sld [smem:$0x3FA9]  }
0x29: {  	s4 =	sld [smem:$0x3FAB]  }
0x2a: {  	p0 =	seq.s32 s5, $0x0;
	s5 =	sld [smem:$0x3FAC]  }
0x2b: {  	s6 =	sld [smem:$0x3FAD]  }
0x2c: {  	s7 =	sld [smem:$0x3FAE]  }
0x2d: {  	s3 =	simm.s32 $0x108;
	s8 =	sld [smem:$0x3FAF]  }
0x2e: {  	s3 =	simm.s32 @!p0 $0x1082;
	s9 =	sld [smem:$0x3FB0]  }
0x2f: {  	lr =	sadd.s32 s0, s3;
	s0 =	sld [smem:$0x3FA7]  }
0x30: {  	s3 =	sld [smem:$0x3FAA]  }
0x31: {  	[smem:$0x3FB3] =	sst s10  }
0x32: {  	s10 =	sld [smem:$0x3FB1];
	_ =	sdelay $0x3  }
0x33: {  	p0 =	seq.s32 s10, $0x1;
	s10 =	sld [smem:$0x3FB3];
	_ =	sdelay $0x3  }
0x34: {  	[smem:$0x3FB3] =	sst s10  }
0x35: {  	s10 =	sld [smem:$0x3FB2];
	_ =	sdelay $0x3  }
0x36: {  	p1 =	seq.s32 s10, $0x1;
	s10 =	sld [smem:$0x3FB3];
	_ =	sdelay $0x3  }
0x37: {  	[smem:$0x3FB3] =	sst s10  }
0x38: {  	s10 =	sld [smem:$0x3FB4]  }
0x39: {  	_ = 	snop;
	(pc) =	sbr.ind lr, $3  }
0x3a: {  	_ = 	snop  }
0x3b: {  	_ = 	snop  }
0x3c: {  	p2 =	seq.s32 s10, $0x1;
	s10 =	sld [smem:$0x3FB3]  }
0x3d: {  	_ =	shalt  }
0x3e: {  	_ =	shalt  }
0x3f: {  	_ =	shalt  }
0x40: {  	_ =	shalt  }
0x41: {  	_ =	shalt  }
0x42: {  	_ =	shalt  }
0x43: {  	_ =	shalt  }
0x44: {  	_ =	shalt  }
0x45: {  	_ =	shalt  }
0x46: {  	_ =	shalt  }
0x47: {  	_ =	shalt  }
0x48: {  	_ =	shalt  }
0x49: {  	_ =	shalt  }
0x4a: {  	_ =	shalt  }
0x4b: {  	_ =	shalt  }
0x4c: {  	_ =	shalt  }
0x4d: {  	_ =	shalt  }
0x4e: {  	_ =	shalt  }
0x4f: {  	_ =	shalt  }
0x50: {  	_ =	shalt  }
0x51: {  	_ =	shalt  }
0x52: {  	_ =	shalt  }
0x53: {  	_ =	shalt  }
0x54: {  	_ =	shalt  }
0x55: {  	_ =	shalt  }
0x56: {  	_ =	shalt  }
0x57: {  	_ =	shalt  }
0x58: {  	_ =	shalt  }
0x59: {  	_ =	shalt  }
0x5a: {  	_ =	shalt  }
0x5b: {  	_ =	shalt  }
0x5c: {  	_ =	shalt  }
0x5d: {  	_ =	shalt  }
0x5e: {  	_ =	shalt  }
0x5f: {  	_ =	shalt  }
0x60: {  	_ =	shalt  }
0x61: {  	_ =	shalt  }
0x62: {  	_ =	shalt  }
0x63: {  	_ =	shalt  }
0x64: {  	_ =	shalt  }
0x65: {  	_ =	shalt  }
0x66: {  	_ =	shalt  }
0x67: {  	_ =	shalt  }
0x68: {  	_ =	shalt  }
0x69: {  	_ =	shalt  }
0x6a: {  	_ =	shalt  }
0x6b: {  	_ =	shalt  }
0x6c: {  	_ =	shalt  }
0x6d: {  	_ =	shalt  }
0x6e: {  	_ =	shalt  }
0x6f: {  	_ =	shalt  }
0x70: {  	_ =	shalt  }
0x71: {  	_ =	shalt  }
0x72: {  	_ =	shalt  }
0x73: {  	_ =	shalt  }
0x74: {  	_ =	shalt  }
0x75: {  	_ =	shalt  }
0x76: {  	_ =	shalt  }
0x77: {  	_ =	shalt  }
0x78: {  	_ =	shalt  }
0x79: {  	_ =	shalt  }
0x7a: {  	_ =	shalt  }
0x7b: {  	_ =	shalt  }
0x7c: {  	_ =	shalt  }
0x7d: {  	_ =	shalt  }
0x7e: {  	_ =	shalt  }
0x7f: {  	_ =	shalt  }
0x80: {  	_ =	shalt  }
0x81: {  	_ =	shalt  }
0x82: {  	_ =	shalt  }
0x83: {  	_ =	shalt  }
0x84: {  	_ =	shalt  }
0x85: {  	_ =	shalt  }
0x86: {  	_ =	shalt  }
0x87: {  	_ =	shalt  }
.Lfunc_end0:
.L_simem_size_0:
called_computation_lowered:
.L_overlay_start_0:
0x88: {  	s2 =	sld [smem:$0x3FD9]  }
0x89: {  	s3 =	sld [smem:$0x3FFE];
	_ =	sdelay $0x1  }
0x8a: {  	s1 =	srdreg.scid  }
0x8b: {  	s0 =	sand.u32 $0x1, s1  }
0x8c: {  	s17 =	sshll.u32 s0, $0xA;
	s2 =	sadd.s32 s3, s2  }
0x8d: {  	s2 =	sadd.s32 s2, s17  }
0x8e: {  	[smem:$0x3FBF] =	sst s2  }
0x8f: {  	_ = 	snop  }
0x90: {  	s2 =	sld [smem:$0x3FD0];
	(tm) =	ssettm $0x1  }
0x91: {  	s18 =	sld [smem:$0x3FFB];
	_ =	sdelay $0x3  }
0x92: {  	_ =	strace s18  }
0x93: {  	s3 =	sld [smem:$0x3FFC];
	_ =	sdelay $0x3  }
0x94: {  	_ =	strace s3  }
0x95: {  	s3 =	sld [smem:$0x3FFD];
	_ =	sdelay $0x3  }
0x96: {  	_ =	strace s3  }
0x97: {  	_ =	strace $0x8FFFFFFF  }
0x98: {  	s19 =	sld [smem:$0x3FDB];
	_ =	sdelay $0x1  }
0x99: {  	s4 =	simm.s32 $_scs_section_size  }
0x9a: {  	s5 =	simm.s32 $_size__tile_overlayer_lowered;
	s6 =	simm.s32 $_tile_overlayer_lowered  }
0x9b: {  	s22 =	simm.s32 $0x1BFF;
	s21 =	sshll.u32 s6, $0x1;
	s3 =	sadd.s32 s4, s19  }
0x9c: {  	s7 =	simm.s32 $0x0;
	s20 =	sshll.u32 s5, $0x1;
	s5 =	sadd.s32 s21, s3  }
0x9d: {  	[timem:s7], [sflag:s22] =	dma.local [hbm:s5], s20  }
0x9e: {  	_ =	swait.ge [sflag:s22], s20  }
0x9f: {  	s4 =	ssub.s32 $0x0, s20;
	[sflag:s22] =	ssyncset.done $0x0  }
0xa0: {  	[sflag:s22] =	ssyncadd.s32 s4;
	_ =	sdelay $0x1  }
0xa1: {  	s23 =	simm.s32 $0x1B8B  }
0xa2: {  	_ =	swait.ge [sflag:s23], $0x1  }
0xa3: {  	[sflag:s23] =	ssyncset.done $0x0  }
0xa4: {  	s25 =	simm.s32 $0x1B8E;
	s24 =	sld [smem:$0x3FFE];
	[sflag:s23] =	ssyncadd.s32 $0xFFFFFFFF  }
0xa5: {  	s26 =	simm.s32 $execute0_lowered;
	[smem:$0x3FD2] =	sst s25  }
0xa6: {  	s5 =	sshll.u32 s26, $0x1;
	_ =	strace $0x80000046;
	[dreg:$0x1] =	wrdreg $0xFFFFFFFF  }
0xa7: {  	s28 =	simm.s32 $_size_execute0_lowered;
	s3 =	sadd.s32 s3, s5;
	[dreg:$0x0] =	wrdreg $0x0  }
0xa8: {  	s5 =	sshll.u32 s28, $0x1;
	[dreg:$0x2] =	wrdreg s3  }
0xa9: {  	[dreg:$0x3] =	wrdreg s5  }
0xaa: {  	[dreg:$0x4] =	wrdreg $0xC0  }
0xab: {  	_ =	task [dreg:s7], $0x5FFFF  }
0xac: {  	[dreg:$0x1] =	wrdreg $0xFFFFFFFF  }
0xad: {  	[dreg:$0x0] =	wrdreg $0x60  }
0xae: {  	[dreg:$0x2] =	wrdreg s24  }
0xaf: {  	[dreg:$0x3] =	wrdreg s2  }
0xb0: {  	[dreg:$0x4] =	wrdreg $0x90000  }
0xb1: {  	[dreg:$0x5] =	wrdreg $0x9  }
0xb2: {  	_ =	task.clear_ibuf [dreg:s7], $0x6FFFF;
	_ =	strace $0x90000046  }
0xb3: {  	s29 =	simm.s32 $0x9;
	_ =	strace $0x80000048  }
0xb4: {  	_ =	swait.ge [sflag:s29], $0x1  }
0xb5: {  	[sflag:s29] =	ssyncadd.s32 $0xFFFFFFFF  }
0xb6: {  	_ =	strace $0x90000048  }
0xb7: {  	_ =	sfence  }
0xb8: {  	s30 =	sld [smem:$0x0];
	_ =	sdelay $0x2  }
0xb9: {  	s31 =	sshll.u32 s1, $0xD;
	s1 =	sshrl.u32 s1, $0x2  }
0xba: {  	s3 =	sand.u32 $0x4000, s31;
	s1 =	sadd.s32 s1, s30  }
0xbb: {  	s0 =	sor.u32 s3, s0;
	s1 =	sshll.u32 s1, $0x11  }
0xbc: {  	s0 =	sor.u32 s1, s0  }
0xbd: {  	s0 =	sadd.s32 $0x8F2B, s0  }
0xbe: {  	[sflag:s0] =	ssyncadd.remote.s32 $0x1  }
0xbf: {  	_ =	sfence.sel $0xFFFF  }
0xc0: {  	[dreg:$0x0] =	wrdreg $0xFFFFFFFF;
	(pc) =	sbr.abs _section_cstart, $3  }
0xc1: {  	[dreg:$0x1] =	wrdreg $0xFFFFFFFF  }
0xc2: {  	_ =	task.clear_ibuf [dreg:s7], $0x2FFFF;
	_ =	strace $0x9FFFFFFF  }
0xc3: {  	(tm) =	ssettm $0x7FFFFFFF  }
tec
execute0_lowered:
.L_overlay_start_1:
0x0: {  	(tag) =	ssettag $0x1  }
0x1: {  	s0 =	rddreg [dreg:$0x0]  }
0x2: {  	s1 =	srdreg.scid;
	s3 =	rddreg [dreg:$0x1]  }
0x3: {  	s2 =	rddreg [dreg:$0x2];
	s10 =	stileid.u32  }
0x4: {  	s5 =	simm.s32 $0x0;
	s14 =	simm.s32 $0x1000;
	s15 =	simm.s32 $0x5  }
0x5: {  	s12 =	simm.s32 $0x400;
	s17 =	simm.s32 $0x800;
	s6 =	smul.u32 $0x4F000, s10  }
0x6: {  	s13 =	simm.s32 $0xC00;
	s29 =	simm.s32 $0x4;
	s22 =	smul.u32 $0x4E000, s10  }
0x7: {  	s1 =	sand.u32 $0x1, s1;
	[smem:$0x7FF] =	sst s5;
	s28 =	smul.u32 $0x2700, s10  }
0x8: {  	s5 =	sadd.s32 $0x138000, s2;
	s4 =	sshll.u32 s1, $0x4;
	_ =	strace $0x80000047  }
0x9: {  	s7 =	smul.u32 $0x27100, s1;
	s1 =	ssub.s32 $0x2, s1;
	s6 =	sshrl.u32 s6, $0x2  }
0xa: {  	s4 =	sor.u32 s10, s4;
	s9 =	sshrl.u32 s1, $0x1;
	s20 =	sadd.s32 s6, s2  }
0xb: {  	s19 =	smul.u32 $0x500, s4;
	s6 =	sadd.s32 $0x4000, s20;
	[dreg:$0x4] =	wrdreg s20  }
0xc: {  	s4 =	sadd.s32 $0xCA00, s0;
	s21 =	sadd.s32 $0x8000, s20;
	[dreg:$0x5] =	wrdreg s6  }
0xd: {  	s1 =	ssub.s32 s1, s9;
	s23 =	sadd.s32 $0xC000, s20;
	[dreg:$0x6] =	wrdreg s21  }
0xe: {  	s1 =	smax.u32 s1, $0x1;
	s8 =	sadd.s32 s19, s0;
	[dreg:$0x7] =	wrdreg s23  }
0xf: {  	s0 =	sadd.s32 s7, s0;
	s7 =	sadd.s32 $0x10000, s20;
	[dreg:$0xc] =	wrdreg s1  }
0x10: {  	p0 =	sne.s32 s10, $0xF;
	s11 =	sadd.s32 s3, s19;
	[dreg:$0x8] =	wrdreg s7  }
0x11: {  	s26 =	sshrl.u32 s22, $0x2;
	s24 =	sadd.s32 $0x2A00, s8;
	[dreg:$0x9] =	wrdreg s11  }
0x12: {  	s22 =	simm.s32 $0x5000;
	s30 =	sadd.s32 $0x80, s11;
	[dreg:$0xa] =	wrdreg s24  }
0x13: {  	s20 =	simm.s32 $0x1;
	s25 =	sadd.s32 $0x33C00, s0;
	[dreg:$0xd] =	wrdreg s30  }
0x14: {  	s0 =	sadd.s32 s26, s2;
	[dreg:$0xb] =	wrdreg s25;
	s31 =	sadd.s32 s28, s25  }
0x15: {  	s21 =	simm.s32 $0x80;
	s0 =	sshrl.u32 s0, $0x3;
	[dreg:$0xe] =	wrdreg s31  }
0x16: {  	s26 =	simm.s32 $0x3;
	[dreg:$0xf] =	wrdreg s0;
	s0 =	sshrl.u32 @!p0 s5, $0x3  }
0x17: {  	v0 =	vimm.f32 $0.0e+00;
	s24 =	simm.s32 $0x2;
	[dreg:$0x10] =	wrdreg s0;
	s0 =	simm.s32 $0x0  }
.LBB2_1:
0x18: {  	[dreg:$0x11] =	wrdreg s0;
	s7 =	simm.s32 $0x0;
	s8 =	simm.s32 $0x200  }
.LBB2_2:
0x19: {  	p1 =	sne.s32 s8, $0xFE00;
	[tilespmem:s7+$0x1070] =	vst v0  }
0x1a: {  	[tilespmem:s7+$0x1000] =	vst v0  }
0x1b: {  	[tilespmem:s7+$0x1010] =	vst v0  }
.Ltmp0:
0x1c: {  	[tilespmem:s7+$0x1020] =	vst v0;
	(pc) =	sbr.rel @p1 .LBB2_2-.Ltmp0, $4  }
0x1d: {  	[tilespmem:s7+$0x1030] =	vst v0  }
0x1e: {  	[tilespmem:s7+$0x1040] =	vst v0  }
0x1f: {  	[tilespmem:s7+$0x1050] =	vst v0  }
0x20: {  	[tilespmem:s7+$0x1060] =	vst v0;
	s7 =	sshra.s32 s8, $0x2;
	s8 =	sadd.s32 $0x200, s8  }
0x21: {  	[tilespmem:s7+$0x1070] =	vst v0  }
0x22: {  	[tilespmem:s7+$0x1000] =	vst v0  }
0x23: {  	[tilespmem:s7+$0x1010] =	vst v0  }
0x24: {  	[tilespmem:s7+$0x1020] =	vst v0  }
0x25: {  	[tilespmem:s7+$0x1030] =	vst v0  }
0x26: {  	[tilespmem:s7+$0x1040] =	vst v0  }
0x27: {  	[tilespmem:s7+$0x1050] =	vst v0  }
0x28: {  	[tilespmem:s7+$0x1060] =	vst v0;
	s10 =	rddreg [dreg:$0x4]  }
0x29: {  	[spmem:s10] =	stream.linear.scatter [tilespmem:s14], [sflag:$0x5], $0x4000, $0x38;
	[tilespmem:$0x1CC00] =	vst v63  }
0x2a: {  	_ =	swait.ge [sflag:s15], $0x4000  }
0x2b: {  	[sflag:s15] =	ssyncset.done $0x0  }
0x2c: {  	s16 =	rddreg [dreg:$0x5];
	[sflag:s15] =	ssyncadd.s32 $0xFFFFC000  }
0x2d: {  	[spmem:s16] =	stream.linear.scatter [tilespmem:s14], [sflag:$0x5], $0x4000, $0x38;
	[tilespmem:$0x1CC00] =	vst v63  }
0x2e: {  	_ =	swait.ge [sflag:s15], $0x4000  }
0x2f: {  	[sflag:s15] =	ssyncset.done $0x0  }
0x30: {  	s18 =	rddreg [dreg:$0x6];
	[sflag:s15] =	ssyncadd.s32 $0xFFFFC000  }
0x31: {  	[spmem:s18] =	stream.linear.scatter [tilespmem:s14], [sflag:$0x5], $0x4000, $0x38;
	[tilespmem:$0x1CC00] =	vst v63  }
0x32: {  	_ =	swait.ge [sflag:s15], $0x4000  }
0x33: {  	[sflag:s15] =	ssyncset.done $0x0  }
0x34: {  	s19 =	rddreg [dreg:$0x7];
	[sflag:s15] =	ssyncadd.s32 $0xFFFFC000  }
0x35: {  	[spmem:s19] =	stream.linear.scatter [tilespmem:s14], [sflag:$0x5], $0x4000, $0x38;
	[tilespmem:$0x1CC00] =	vst v63  }
0x36: {  	_ =	swait.ge [sflag:s15], $0x4000  }
0x37: {  	[sflag:s15] =	ssyncset.done $0x0  }
0x38: {  	s7 =	simm.s32 $0x0;
	s23 =	rddreg [dreg:$0x8];
	[sflag:s15] =	ssyncadd.s32 $0xFFFFC000  }
0x39: {  	[spmem:s23] =	stream.linear.scatter [tilespmem:s14], [sflag:$0x5], $0x3C00, $0x38;
	[tilespmem:$0x1CC00] =	vst v63  }
0x3a: {  	s5 =	simm.s32 $0x100;
	s3 =	simm.s32 $0x500;
	_ =	swait.ge [sflag:s15], $0x3C00  }
0x3b: {  	s28 =	simm.s32 $0x280;
	s30 =	simm.s32 $0x300;
	[sflag:s15] =	ssyncset.done $0x0  }
0x3c: {  	s31 =	simm.s32 $0x680;
	s0 =	simm.s32 $0x380;
	[sflag:s15] =	ssyncadd.s32 $0xFFFFC400  }
0x3d: {  	s1 =	simm.s32 $0x700;
	s6 =	simm.s32 $0x780;
	[bflag:$0x0] =	sbarrier.arrive $0xFFFF  }
0x3e: {  	[tilespmem:s7], [sflag:$0x1] =	stream.linear.gather [hbm4b:s11+s7], $0x400, $0x38;
	[tilespmem:$0x1CC00] =	vst v63  }
0x3f: {  	s10 =	simm.s32 $0x480;
	s16 =	simm.s32 $0x200;
	s9 =	rddreg [dreg:$0xa]  }
0x40: {  	[tilespmem:s12], [sflag:$0x1] =	stream.linear.gather [hbm4b:s9+s7], $0x400, $0x38;
	[tilespmem:$0x1CC00] =	vst v63  }
0x41: {  	s18 =	simm.s32 $0x580;
	s19 =	simm.s32 $0x600;
	s8 =	rddreg [dreg:$0xd]  }
0x42: {  	[tilespmem:s17], [sflag:$0x2] =	stream.linear.gather [hbm4b:s8+s7], $0x400, $0x38;
	[tilespmem:$0x1CC00] =	vst v63  }
0x43: {  	s23 =	simm.s32 $0x0;
	s25 =	sadd.s32 $0x80, s9;
	s9 =	sadd.s32 $0x100, s9  }
0x44: {  	[tilespmem:s13], [sflag:$0x2] =	stream.linear.gather [hbm4b:s25+s7], $0x400, $0x38;
	[tilespmem:$0x1CC00] =	vst v63  }
0x45: {  	s8 =	sadd.s32 $0x100, s11;
	s11 =	simm.s32 $0x180;
	s25 =	simm.s32 $0x400  }
.LBB2_4:
0x46: {  	_ =	swait.ge [sflag:s20], $0x400  }
0x47: {  	[sflag:s20] =	ssyncset.done $0x0  }
0x48: {  	[sflag:s20] =	ssyncadd.s32 $0xFFFFFC00  }
0x49: {  	_ =	swait.ge [sflag:s20], $0x400  }
0x4a: {  	[sflag:s20] =	ssyncset.done $0x0  }
0x4b: {  	[sflag:s20] =	ssyncadd.s32 $0xFFFFFC00  }
0x4c: {  	[tilespmem:s14], [sflag:$0x3] =	stream.indirect.gather [hbm4b:s4+s21], $0x80, s23, s21, $0xb8;
	[tilespmem:$0x1CC00] =	vst v63  }
0x4d: {  	_ = 	snop  }
0x4e: {  	[tilespmem:s22], [sflag:$0x4] =	stream.indirect.gather [hbm4b:s4+s21], $0x80, s21, s21, $0xb8;
	[tilespmem:$0x1CC00] =	vst v63  }
0x4f: {  	_ =	swait.ge [sflag:s26], $0x4000  }
0x50: {  	[sflag:s26] =	ssyncset.done $0x0  }
0x51: {  	[sflag:s26] =	ssyncadd.s32 $0xFFFFC000  }
0x52: {  	[spmem:s2] =	stream.indirect.scatter.add.f32 [tilespmem:s14], [sflag:$0x5], $0x80, s25, s21, $0xb8;
	[tilespmem:$0x1CC00] =	vst v63  }
0x53: {  	_ =	swait.ge [sflag:s15], $0x4000  }
0x54: {  	[sflag:s15] =	ssyncset.done $0x0  }
0x55: {  	[sflag:s15] =	ssyncadd.s32 $0xFFFFC000  }
0x56: {  	[tilespmem:s14], [sflag:$0x3] =	stream.indirect.gather [hbm4b:s4+s21], $0x80, s5, s21, $0xb8;
	[tilespmem:$0x1CC00] =	vst v63  }
0x57: {  	_ =	swait.ge [sflag:s29], $0x4000  }
0x58: {  	[sflag:s29] =	ssyncset.done $0x0  }
0x59: {  	[sflag:s29] =	ssyncadd.s32 $0xFFFFC000  }
0x5a: {  	[spmem:s2] =	stream.indirect.scatter.add.f32 [tilespmem:s22], [sflag:$0x5], $0x80, s10, s21, $0xb8;
	[tilespmem:$0x1CC00] =	vst v63  }
0x5b: {  	_ =	swait.ge [sflag:s15], $0x4000  }
0x5c: {  	[sflag:s15] =	ssyncset.done $0x0  }
0x5d: {  	[sflag:s15] =	ssyncadd.s32 $0xFFFFC000  }
0x5e: {  	[tilespmem:s22], [sflag:$0x4] =	stream.indirect.gather [hbm4b:s4+s21], $0x80, s11, s21, $0xb8;
	[tilespmem:$0x1CC00] =	vst v63  }
0x5f: {  	_ =	swait.ge [sflag:s26], $0x4000  }
0x60: {  	[sflag:s26] =	ssyncset.done $0x0  }
0x61: {  	[sflag:s26] =	ssyncadd.s32 $0xFFFFC000  }
0x62: {  	[spmem:s2] =	stream.indirect.scatter.add.f32 [tilespmem:s14], [sflag:$0x5], $0x80, s3, s21, $0xb8;
	[tilespmem:$0x1CC00] =	vst v63  }
0x63: {  	_ =	swait.ge [sflag:s15], $0x4000  }
0x64: {  	[sflag:s15] =	ssyncset.done $0x0  }
0x65: {  	[sflag:s15] =	ssyncadd.s32 $0xFFFFC000  }
0x66: {  	[tilespmem:s14], [sflag:$0x3] =	stream.indirect.gather [hbm4b:s4+s21], $0x80, s16, s21, $0xb8;
	[tilespmem:$0x1CC00] =	vst v63  }
0x67: {  	_ =	swait.ge [sflag:s29], $0x4000  }
0x68: {  	[sflag:s29] =	ssyncset.done $0x0  }
0x69: {  	[sflag:s29] =	ssyncadd.s32 $0xFFFFC000  }
0x6a: {  	[spmem:s2] =	stream.indirect.scatter.add.f32 [tilespmem:s22], [sflag:$0x5], $0x80, s18, s21, $0xb8;
	[tilespmem:$0x1CC00] =	vst v63  }
0x6b: {  	_ =	swait.ge [sflag:s15], $0x4000  }
0x6c: {  	[sflag:s15] =	ssyncset.done $0x0  }
0x6d: {  	[sflag:s15] =	ssyncadd.s32 $0xFFFFC000  }
0x6e: {  	[tilespmem:s22], [sflag:$0x4] =	stream.indirect.gather [hbm4b:s4+s21], $0x80, s28, s21, $0xb8;
	[tilespmem:$0x1CC00] =	vst v63  }
0x6f: {  	_ =	swait.ge [sflag:s26], $0x4000  }
0x70: {  	[sflag:s26] =	ssyncset.done $0x0  }
0x71: {  	[sflag:s26] =	ssyncadd.s32 $0xFFFFC000  }
0x72: {  	[spmem:s2] =	stream.indirect.scatter.add.f32 [tilespmem:s14], [sflag:$0x5], $0x80, s19, s21, $0xb8;
	[tilespmem:$0x1CC00] =	vst v63  }
0x73: {  	_ =	swait.ge [sflag:s15], $0x4000  }
0x74: {  	[sflag:s15] =	ssyncset.done $0x0  }
0x75: {  	[sflag:s15] =	ssyncadd.s32 $0xFFFFC000  }
0x76: {  	[tilespmem:s14], [sflag:$0x3] =	stream.indirect.gather [hbm4b:s4+s21], $0x80, s30, s21, $0xb8;
	[tilespmem:$0x1CC00] =	vst v63  }
0x77: {  	_ =	swait.ge [sflag:s29], $0x4000  }
0x78: {  	[sflag:s29] =	ssyncset.done $0x0  }
0x79: {  	[sflag:s29] =	ssyncadd.s32 $0xFFFFC000  }
0x7a: {  	[spmem:s2] =	stream.indirect.scatter.add.f32 [tilespmem:s22], [sflag:$0x5], $0x80, s31, s21, $0xb8;
	[tilespmem:$0x1CC00] =	vst v63  }
0x7b: {  	_ =	swait.ge [sflag:s15], $0x4000  }
0x7c: {  	[sflag:s15] =	ssyncset.done $0x0  }
0x7d: {  	[sflag:s15] =	ssyncadd.s32 $0xFFFFC000  }
0x7e: {  	[tilespmem:s22], [sflag:$0x4] =	stream.indirect.gather [hbm4b:s4+s21], $0x80, s0, s21, $0xb8;
	[tilespmem:$0x1CC00] =	vst v63  }
0x7f: {  	_ =	swait.ge [sflag:s26], $0x4000  }
0x80: {  	[sflag:s26] =	ssyncset.done $0x0  }
0x81: {  	[sflag:s26] =	ssyncadd.s32 $0xFFFFC000  }
0x82: {  	[spmem:s2] =	stream.indirect.scatter.add.f32 [tilespmem:s14], [sflag:$0x5], $0x80, s1, s21, $0xb8;
	[tilespmem:$0x1CC00] =	vst v63  }
0x83: {  	_ =	swait.ge [sflag:s15], $0x4000  }
0x84: {  	[sflag:s15] =	ssyncset.done $0x0  }
0x85: {  	[sflag:s15] =	ssyncadd.s32 $0xFFFFC000  }
0x86: {  	_ =	swait.ge [sflag:s29], $0x4000  }
0x87: {  	[sflag:s29] =	ssyncset.done $0x0  }
0x88: {  	[sflag:s29] =	ssyncadd.s32 $0xFFFFC000  }
0x89: {  	[spmem:s2] =	stream.indirect.scatter.add.f32 [tilespmem:s22], [sflag:$0x5], $0x80, s6, s21, $0xb8;
	[tilespmem:$0x1CC00] =	vst v63  }
0x8a: {  	_ =	swait.ge [sflag:s15], $0x4000  }
0x8b: {  	p1 =	seq.s32 s7, $0x400;
	[sflag:s15] =	ssyncset.done $0x0  }
0x8c: {  	s13 =	sadd.s32 @!p1 s7, s8;
	s17 =	simm.s32 @!p1 $0x0;
	[sflag:s15] =	ssyncadd.s32 $0xFFFFC000  }
0x8d: {  	[tilespmem:s17], [sflag:$0x1] =	stream.linear.gather @!p1 [hbm4b:s13+s17], $0x400, $0x38;
	[tilespmem:$0x1CC00] =	vst v63  }
0x8e: {  	s13 =	sadd.s32 @!p1 s7, s9;
	s7 =	sadd.s32 @!p1 $0x100, s7  }
0x8f: {  	s12 =	simm.s32 @!p1 $0x400;
	p2 =	sne.s32 @!p1 s7, $0x500  }
0x90: {  	[tilespmem:s12], [sflag:$0x1] =	stream.linear.gather @!p1 [hbm4b:s13+s17], $0x400, $0x38;
	[tilespmem:$0x1CC00] =	vst v63  }
0x91: {  	p1 =	por p1, !p2  }
.Ltmp1:
0x92: {  	_ = 	snop;
	(pc) =	sbr.rel @!p1 .LBB2_4-.Ltmp1, $1  }
0x93: {  	_ =	sdelay $0x3  }
0x94: {  	s0 =	rddreg [dreg:$0x9]  }
0x95: {  	s8 =	rddreg [dreg:$0xa];
	s9 =	simm.s32 $0x0  }
0x96: {  	s17 =	simm.s32 $0x800;
	s23 =	simm.s32 $0xC00;
	s1 =	simm.s32 $0x900  }
0x97: {  	s3 =	simm.s32 $0xC80;
	s5 =	simm.s32 $0x980;
	s6 =	simm.s32 $0xD00  }
0x98: {  	s10 =	simm.s32 $0xA00;
	s11 =	simm.s32 $0xD80;
	s16 =	simm.s32 $0xA80  }
0x99: {  	s18 =	simm.s32 $0xE00;
	s19 =	simm.s32 $0xB00;
	s28 =	simm.s32 $0xE80  }
0x9a: {  	s30 =	simm.s32 $0xB80;
	s31 =	simm.s32 $0xF00;
	s25 =	simm.s32 $0xF80  }
0x9b: {  	s7 =	sadd.s32 $0x180, s0;
	s8 =	sadd.s32 $0x180, s8;
	s0 =	simm.s32 $0x880  }
.LBB2_6:
0x9c: {  	_ =	swait.ge [sflag:s24], $0x400  }
0x9d: {  	[sflag:s24] =	ssyncset.done $0x0  }
0x9e: {  	[sflag:s24] =	ssyncadd.s32 $0xFFFFFC00  }
0x9f: {  	_ =	swait.ge [sflag:s24], $0x400  }
0xa0: {  	[sflag:s24] =	ssyncset.done $0x0  }
0xa1: {  	[sflag:s24] =	ssyncadd.s32 $0xFFFFFC00  }
0xa2: {  	[tilespmem:s14], [sflag:$0x3] =	stream.indirect.gather [hbm4b:s4+s21], $0x80, s17, s21, $0xb8;
	[tilespmem:$0x1CC00] =	vst v63  }
0xa3: {  	_ = 	snop  }
0xa4: {  	[tilespmem:s22], [sflag:$0x4] =	stream.indirect.gather [hbm4b:s4+s21], $0x80, s0, s21, $0xb8;
	[tilespmem:$0x1CC00] =	vst v63  }
0xa5: {  	_ =	swait.ge [sflag:s26], $0x4000  }
0xa6: {  	[sflag:s26] =	ssyncset.done $0x0  }
0xa7: {  	[sflag:s26] =	ssyncadd.s32 $0xFFFFC000  }
0xa8: {  	[spmem:s2] =	stream.indirect.scatter.add.f32 [tilespmem:s14], [sflag:$0x5], $0x80, s23, s21, $0xb8;
	[tilespmem:$0x1CC00] =	vst v63  }
0xa9: {  	_ =	swait.ge [sflag:s15], $0x4000  }
0xaa: {  	[sflag:s15] =	ssyncset.done $0x0  }
0xab: {  	[sflag:s15] =	ssyncadd.s32 $0xFFFFC000  }
0xac: {  	[tilespmem:s14], [sflag:$0x3] =	stream.indirect.gather [hbm4b:s4+s21], $0x80, s1, s21, $0xb8;
	[tilespmem:$0x1CC00] =	vst v63  }
0xad: {  	_ =	swait.ge [sflag:s29], $0x4000  }
0xae: {  	[sflag:s29] =	ssyncset.done $0x0  }
0xaf: {  	[sflag:s29] =	ssyncadd.s32 $0xFFFFC000  }
0xb0: {  	[spmem:s2] =	stream.indirect.scatter.add.f32 [tilespmem:s22], [sflag:$0x5], $0x80, s3, s21, $0xb8;
	[tilespmem:$0x1CC00] =	vst v63  }
0xb1: {  	_ =	swait.ge [sflag:s15], $0x4000  }
0xb2: {  	[sflag:s15] =	ssyncset.done $0x0  }
0xb3: {  	[sflag:s15] =	ssyncadd.s32 $0xFFFFC000  }
0xb4: {  	[tilespmem:s22], [sflag:$0x4] =	stream.indirect.gather [hbm4b:s4+s21], $0x80, s5, s21, $0xb8;
	[tilespmem:$0x1CC00] =	vst v63  }
0xb5: {  	_ =	swait.ge [sflag:s26], $0x4000  }
0xb6: {  	[sflag:s26] =	ssyncset.done $0x0  }
0xb7: {  	[sflag:s26] =	ssyncadd.s32 $0xFFFFC000  }
0xb8: {  	[spmem:s2] =	stream.indirect.scatter.add.f32 [tilespmem:s14], [sflag:$0x5], $0x80, s6, s21, $0xb8;
	[tilespmem:$0x1CC00] =	vst v63  }
0xb9: {  	_ =	swait.ge [sflag:s15], $0x4000  }
0xba: {  	[sflag:s15] =	ssyncset.done $0x0  }
0xbb: {  	[sflag:s15] =	ssyncadd.s32 $0xFFFFC000  }
0xbc: {  	[tilespmem:s14], [sflag:$0x3] =	stream.indirect.gather [hbm4b:s4+s21], $0x80, s10, s21, $0xb8;
	[tilespmem:$0x1CC00] =	vst v63  }
0xbd: {  	_ =	swait.ge [sflag:s29], $0x4000  }
0xbe: {  	[sflag:s29] =	ssyncset.done $0x0  }
0xbf: {  	[sflag:s29] =	ssyncadd.s32 $0xFFFFC000  }
0xc0: {  	[spmem:s2] =	stream.indirect.scatter.add.f32 [tilespmem:s22], [sflag:$0x5], $0x80, s11, s21, $0xb8;
	[tilespmem:$0x1CC00] =	vst v63  }
0xc1: {  	_ =	swait.ge [sflag:s15], $0x4000  }
0xc2: {  	[sflag:s15] =	ssyncset.done $0x0  }
0xc3: {  	[sflag:s15] =	ssyncadd.s32 $0xFFFFC000  }
0xc4: {  	[tilespmem:s22], [sflag:$0x4] =	stream.indirect.gather [hbm4b:s4+s21], $0x80, s16, s21, $0xb8;
	[tilespmem:$0x1CC00] =	vst v63  }
0xc5: {  	_ =	swait.ge [sflag:s26], $0x4000  }
0xc6: {  	[sflag:s26] =	ssyncset.done $0x0  }
0xc7: {  	[sflag:s26] =	ssyncadd.s32 $0xFFFFC000  }
0xc8: {  	[spmem:s2] =	stream.indirect.scatter.add.f32 [tilespmem:s14], [sflag:$0x5], $0x80, s18, s21, $0xb8;
	[tilespmem:$0x1CC00] =	vst v63  }
0xc9: {  	_ =	swait.ge [sflag:s15], $0x4000  }
0xca: {  	[sflag:s15] =	ssyncset.done $0x0  }
0xcb: {  	[sflag:s15] =	ssyncadd.s32 $0xFFFFC000  }
0xcc: {  	[tilespmem:s14], [sflag:$0x3] =	stream.indirect.gather [hbm4b:s4+s21], $0x80, s19, s21, $0xb8;
	[tilespmem:$0x1CC00] =	vst v63  }
0xcd: {  	_ =	swait.ge [sflag:s29], $0x4000  }
0xce: {  	[sflag:s29] =	ssyncset.done $0x0  }
0xcf: {  	[sflag:s29] =	ssyncadd.s32 $0xFFFFC000  }
0xd0: {  	[spmem:s2] =	stream.indirect.scatter.add.f32 [tilespmem:s22], [sflag:$0x5], $0x80, s28, s21, $0xb8;
	[tilespmem:$0x1CC00] =	vst v63  }
0xd1: {  	_ =	swait.ge [sflag:s15], $0x4000  }
0xd2: {  	[sflag:s15] =	ssyncset.done $0x0  }
0xd3: {  	[sflag:s15] =	ssyncadd.s32 $0xFFFFC000  }
0xd4: {  	[tilespmem:s22], [sflag:$0x4] =	stream.indirect.gather [hbm4b:s4+s21], $0x80, s30, s21, $0xb8;
	[tilespmem:$0x1CC00] =	vst v63  }
0xd5: {  	_ =	swait.ge [sflag:s26], $0x4000  }
0xd6: {  	[sflag:s26] =	ssyncset.done $0x0  }
0xd7: {  	[sflag:s26] =	ssyncadd.s32 $0xFFFFC000  }
0xd8: {  	[spmem:s2] =	stream.indirect.scatter.add.f32 [tilespmem:s14], [sflag:$0x5], $0x80, s31, s21, $0xb8;
	[tilespmem:$0x1CC00] =	vst v63  }
0xd9: {  	_ =	swait.ge [sflag:s15], $0x4000  }
0xda: {  	[sflag:s15] =	ssyncset.done $0x0  }
0xdb: {  	[sflag:s15] =	ssyncadd.s32 $0xFFFFC000  }
0xdc: {  	_ =	swait.ge [sflag:s29], $0x4000  }
0xdd: {  	[sflag:s29] =	ssyncset.done $0x0  }
0xde: {  	[sflag:s29] =	ssyncadd.s32 $0xFFFFC000  }
0xdf: {  	[spmem:s2] =	stream.indirect.scatter.add.f32 [tilespmem:s22], [sflag:$0x5], $0x80, s25, s21, $0xb8;
	[tilespmem:$0x1CC00] =	vst v63  }
0xe0: {  	p1 =	seq.s32 s9, $0x400;
	_ =	swait.ge [sflag:s15], $0x4000  }
0xe1: {  	s12 =	sadd.s32 @!p1 s9, s7;
	[sflag:s15] =	ssyncset.done $0x0  }
0xe2: {  	s13 =	simm.s32 @!p1 $0x0;
	s17 =	simm.s32 @!p1 $0x800;
	[sflag:s15] =	ssyncadd.s32 $0xFFFFC000  }
0xe3: {  	[tilespmem:s17], [sflag:$0x2] =	stream.linear.gather @!p1 [hbm4b:s12+s13], $0x400, $0x38;
	[tilespmem:$0x1CC00] =	vst v63  }
0xe4: {  	s12 =	sadd.s32 @!p1 s9, s8;
	s9 =	sadd.s32 @!p1 $0x100, s9  }
0xe5: {  	s17 =	simm.s32 @!p1 $0xC00;
	p2 =	sne.s32 @!p1 s9, $0x500  }
0xe6: {  	[tilespmem:s17], [sflag:$0x2] =	stream.linear.gather @!p1 [hbm4b:s12+s13], $0x400, $0x38;
	[tilespmem:$0x1CC00] =	vst v63  }
0xe7: {  	p1 =	por p1, !p2  }
.Ltmp2:
0xe8: {  	_ = 	snop;
	(pc) =	sbr.rel @!p1 .LBB2_6-.Ltmp2, $2  }
0xe9: {  	_ =	sdelay $0x2  }
0xea: {  	s17 =	simm.s32 $0x800  }
0xeb: {  	s7 =	stileid.u32;
	[bflag:$0x0] =	sbarrier.arrive $0xFFFF  }
0xec: {  	s7 =	sshll.u32 s7, $0x6;
	s8 =	rddreg [dreg:$0xe]  }
0xed: {  	s9 =	rddreg [dreg:$0xf];
	s7 =	sor.u32 $0x1C05, s7  }
0xee: {  	[hbm:s8], [sflag:s7] =	dma.local [spmem:s9], $0x2700  }
0xef: {  	_ =	swait.ge [sflag:s15], $0x2700  }
0xf0: {  	[sflag:s15] =	ssyncset.done $0x0;
	s8 =	rddreg [dreg:$0xb]  }
0xf1: {  	s9 =	rddreg [dreg:$0x10];
	[sflag:s15] =	ssyncadd.s32 $0xFFFFD900;
	s8 =	sadd.s32 @!p0 $0x27000, s8  }
0xf2: {  	[hbm:s8], [sflag:s7] =	dma.local @!p0 [spmem:s9], $0x100  }
0xf3: {  	s7 =	simm.s32 @!p0 $0x5  }
0xf4: {  	_ =	swait.ge @!p0 [sflag:s7], $0x100  }
0xf5: {  	s0 =	rddreg [dreg:$0x11]  }
0xf6: {  	s31 =	rddreg [dreg:$0xc];
	s0 =	sadd.s32 $0x1, s0  }
0xf7: {  	p1 =	sne.s32 s0, s31  }
.Ltmp3:
0xf8: {  	_ = 	snop;
	(pc) =	sbr.rel @p1 .LBB2_1-.Ltmp3, $3  }
0xf9: {  	_ =	sdelay $0x1  }
0xfa: {  	s12 =	simm.s32 $0x400;
	[sflag:s7] =	ssyncset.done @!p0 $0x0  }
0xfb: {  	s13 =	simm.s32 $0xC00;
	s11 =	rddreg [dreg:$0x9];
	[sflag:s7] =	ssyncadd.s32 @!p0 $0xFFFFFF00  }
0xfc: {  	_ =	sfence.sel $0x180000  }
0xfd: {  	[bflag:$0x0] =	sbarrier.arrive $0xFFFF  }
0xfe: {  	_ =	strace $0x90000047  }
0xff: {  	s0 =	stileid.u32;
	[bflag:$0x2] =	sbarrier.arrive $0xFFFF  }
0x100: {  	p0 =	sne.s32 s0, $0x0;
	s0 =	rddreg [dreg:$0x3]  }
0x101: {  	s0 =	sadd.s32 @!p0 $0x100000, s0  }
0x102: {  	[sflag:s0] =	ssyncadd.tile.s32 @!p0 $0x1;
	_ =	shalt  }
.Lfunc_end2:
_tile_overlayer_lowered:
.L_overlay_start_2:
0x103: {  	(tag) =	ssettag $0x2  }
0x104: {  	s0 =	rddreg [dreg:$0x0];
	s2 =	stileid.u32  }
0x105: {  	s1 =	rddreg [dreg:$0x1];
	p0 =	sne.s32 s2, $0x0  }
0x106: {  	s3 =	rddreg [dreg:$0x2];
	[bflag:$0x3] =	sbarrier.arrive $0xFFFF;
	s2 =	simm.s32 @!p0 $0x1C05  }
0x107: {  	[timem:s3], [sflag:s2] =	dma.local @!p0 [hbm:s0], s1  }
0x108: {  	s0 =	simm.s32 @!p0 $0x5  }
0x109: {  	_ =	swait.ge @!p0 [sflag:s0], s1  }
0x10a: {  	s1 =	ssub.s32 @!p0 $0x0, s1;
	[sflag:s0] =	ssyncset.done @!p0 $0x0  }
0x10b: {  	[sflag:s0] =	ssyncadd.s32 @!p0 s1  }
0x10c: {  	[bflag:$0x3] =	sbarrier.arrive $0xFFFF  }
0x10d: {  	_ =	shalt  }

</sc_bundles>
